<compile_context>
chip_gen: v7x
topology: tpu7x:2x2x1
jax: 0.10.2.dev20260603
libtpu: 0.0.44.dev20260713+nightly
codegen_flags: <defaults>
</compile_context>

<pallas_src>
import functools

import jax
import jax.numpy as jnp
from jax import lax
from jax.experimental import pallas as pl
from jax.experimental.pallas import tpu as pltpu
from jax.experimental.pallas import tpu_sc as plsc

N_LATENT = 32
N_OC = 16
B = 512
R = 4096
LANES = 16
N_WORKERS = 32

KO = N_LATENT * N_OC
KPW = KO // N_WORKERS


def _sc_gather_lanes(idx, wt):
    n_regions = wt.shape[1]
    mesh = plsc.VectorSubcoreMesh(core_axis_name="c", subcore_axis_name="s")

    @functools.partial(
        pl.kernel,
        mesh=mesh,
        out_type=jax.ShapeDtypeStruct((KO, R), jnp.float32),
        scratch_types=[
            pltpu.VMEM((R,), jnp.int32),
            pltpu.VMEM((n_regions,), jnp.float32),
            pltpu.VMEM((R,), jnp.float32),
        ],
        compiler_params=pltpu.CompilerParams(
            use_tc_tiling_on_sc=True, needs_layout_passes=False
        ),
    )
    def gather_kernel(idx_hbm, wt_hbm, out_hbm, idx_v, row_v, orow_v):
        w = lax.axis_index("s") * 2 + lax.axis_index("c")
        pltpu.sync_copy(idx_hbm, idx_v)
        for t in range(KPW):
            k = w * KPW + t
            pltpu.sync_copy(wt_hbm.at[k], row_v)

            def body(j, _):
                iv = idx_v[pl.ds(j * LANES, LANES)]
                orow_v[pl.ds(j * LANES, LANES)] = plsc.load_gather(row_v, [iv])
                return 0

            lax.fori_loop(0, R // LANES, body, 0)
            pltpu.sync_copy(orow_v, out_hbm.at[k])

    return gather_kernel(idx, wt)


def _height_matmul(latent, g3):
    OB = 8
    NBR = 512

    def body(lat_ref, g_ref, out_ref):
        for oo in range(OB):
            out_ref[:, oo, :] = jnp.dot(
                lat_ref[...], g_ref[:, oo, :], preferred_element_type=jnp.float32
            )

    return pl.pallas_call(
        body,
        grid=(N_OC // OB, R // NBR),
        in_specs=[
            pl.BlockSpec((B, N_LATENT), lambda o, j: (0, 0)),
            pl.BlockSpec((N_LATENT, OB, NBR), lambda o, j: (0, o, j)),
        ],
        out_specs=pl.BlockSpec((B, OB, NBR), lambda o, j: (0, o, j)),
        out_shape=jax.ShapeDtypeStruct((B, N_OC, R), jnp.float32),
    )(latent, g3)


def _baseline_matmul_t(bwT, latent):
    NB = 4096
    n_regions = bwT.shape[1]

    def body(bw_ref, lat_ref, out_ref):
        out_ref[...] = lax.dot_general(
            bw_ref[...],
            lat_ref[...],
            dimension_numbers=(((0,), (1,)), ((), ())),
            preferred_element_type=jnp.float32,
        )

    return pl.pallas_call(
        body,
        grid=(pl.cdiv(n_regions, NB),),
        in_specs=[
            pl.BlockSpec((N_LATENT, NB), lambda i: (0, i)),
            pl.BlockSpec((B, N_LATENT), lambda i: (0, 0)),
        ],
        out_specs=pl.BlockSpec((NB, B), lambda i: (i, 0)),
        out_shape=jax.ShapeDtypeStruct((n_regions, B), jnp.float32),
    )(bwT, latent)


def kernel(latent, regions_oi, height_w, baseline_w):
    n_regions = height_w.shape[0]
    wt = jnp.transpose(height_w, (1, 2, 0)).reshape(KO, n_regions)
    g_t = _sc_gather_lanes(regions_oi, wt)
    g3 = g_t.reshape(N_LATENT, N_OC, R)
    dh_p = _height_matmul(latent, g3)
    delta_height = jnp.transpose(dh_p, (0, 2, 1))
    db_t = _baseline_matmul_t(baseline_w.T, latent)
    delta_baseline = db_t.T
    return delta_height, delta_baseline

# --- scband reference (transcript-rebuilt; emitter-appended) ---
"""Pipeline reference for scband-decoder-42219528519998 (READ-ONLY COPY).

The authoritative reference and input builder live on the scoring server;
editing this copy changes nothing except your own understanding.
"""

import jax, jax.numpy as jnp
import numpy as np


def setup_inputs(seed: int = 0) -> dict:
    key = jax.random.key(seed)
    k1, k2, k3, k4 = jax.random.split(key, 4)
    n_regions = 100000
    n_latent = 32
    n_oc = 16
    B = 512
    R = 4096
    latent = jax.random.normal(k1, (B, n_latent), dtype=jnp.float32)
    regions_oi = jax.random.randint(k2, (R,), 0, n_regions, dtype=jnp.int32)
    # sparse embedding table: zero-init in torch, use small random values for a numeric reference
    height_w = jax.random.normal(k3, (n_regions, n_latent, n_oc), dtype=jnp.float32) * 0.02
    stdv = 1.0 / np.sqrt(n_latent)
    baseline_w = jax.random.uniform(k4, (n_regions, n_latent), dtype=jnp.float32, minval=-stdv, maxval=stdv)
    return {"latent": latent, "regions_oi": regions_oi, "height_w": height_w, "baseline_w": baseline_w}


def reference(latent, regions_oi, height_w, baseline_w):
    # embedding lookup: [R, n_latent, n_oc]
    dhw = jnp.take(height_w, regions_oi, axis=0)
    # latent[:, None, None, :]: [B, 1, 1, n_latent]; matmul broadcasts -> [B, R, 1, n_oc]
    delta_height = jnp.squeeze(jnp.matmul(latent[:, None, None, :], dhw), -2)
    # [B, 1, n_latent] @ [n_latent, n_regions] -> [B, 1, n_regions] -> [B, n_regions]
    delta_baseline = jnp.squeeze(jnp.matmul(latent[:, None, :], baseline_w.T), -2)
    return (delta_height, delta_baseline)

if __name__ == "__main__":
    import jax
    _d = setup_inputs()
    print(jax.jit(kernel)(*tuple(_d.values())))

</pallas_src>

<mosaic_0001>
#map = affine_map<(d0, d1) -> (0)>
#map1 = affine_map<(d0, d1) -> (0, 0)>
module attributes {stable_mosaic.version = 14 : i64} {
  func.func @gather_kernel(%arg0: i32, %arg1: i32, %arg2: memref<4096xi32, #tpu.memory_space<hbm>>, %arg3: memref<512x100000xf32, #tpu.memory_space<hbm>>, %arg4: memref<512x4096xf32, #tpu.memory_space<hbm>>, %arg5: memref<4096xi32, #tpu.memory_space<vmem>>, %arg6: memref<100000xf32, #tpu.memory_space<vmem>>, %arg7: memref<4096xf32, #tpu.memory_space<vmem>>) attributes {dimension_semantics = [#tpu.dimension_semantics<core_parallel>, #tpu.dimension_semantics<subcore_parallel>], iteration_bounds = array<i64: 2, 16>, scalar_prefetch = 0 : i64, scratch_operands = 3 : i64, tpu.core_type = #tpu.core_type<sc_vector_subcore>, window_params = [{transform_indices = #map}, {transform_indices = #map1}, {transform_indices = #map1}]} {
    %mul3A = arith.constant 2 : i32
    %mul3A_0 = arith.muli %arg1, %mul3A : i32
    %add3A = arith.addi %mul3A_0, %arg0 : i32
    "tpu.region"() ({
      %run_scoped3A = tpu.sem_alloc : memref<!tpu.dma_semaphore, #tpu.memory_space<semaphore_mem>>
      tpu.enqueue_dma source(%arg2 : memref<4096xi32, #tpu.memory_space<hbm>>) target(%arg5 : memref<4096xi32, #tpu.memory_space<vmem>>) target_semaphore(%run_scoped3A : memref<!tpu.dma_semaphore, #tpu.memory_space<semaphore_mem>>)
      tpu.wait_dma2 semaphore(%run_scoped3A : memref<!tpu.dma_semaphore, #tpu.memory_space<semaphore_mem>>) src(%arg2 : memref<4096xi32, #tpu.memory_space<hbm>>) dst(%arg5 : memref<4096xi32, #tpu.memory_space<vmem>>)
      tpu.yield
    }) : () -> ()
    %mul3A_1 = arith.constant 16 : i32
    %mul3A_2 = arith.muli %add3A, %mul3A_1 : i32
    %add3A_3 = arith.constant 0 : i32
    %add3A_4 = arith.addi %mul3A_2, %add3A_3 : i32
    "tpu.region"() ({
      %run_scoped3A = tpu.sem_alloc : memref<!tpu.dma_semaphore, #tpu.memory_space<semaphore_mem>>
      %dma_start3A = arith.constant 0 : i32
      %dma_start3A_176 = tpu.memref_slice %arg3[%add3A_4, %dma_start3A] : memref<512x100000xf32, #tpu.memory_space<hbm>> -> memref<1x100000xf32, #tpu.memory_space<hbm>>
      %dma_start3A_177 = tpu.memref_squeeze %dma_start3A_176 : memref<1x100000xf32, #tpu.memory_space<hbm>> -> memref<100000xf32, #tpu.memory_space<hbm>>
      %dma_start3A_178 = arith.constant 0 : i32
      %dma_start3A_179 = tpu.memref_slice %arg3[%add3A_4, %dma_start3A_178] : memref<512x100000xf32, #tpu.memory_space<hbm>> -> memref<1x100000xf32, #tpu.memory_space<hbm>>
      %dma_start3A_180 = tpu.memref_squeeze %dma_start3A_179 : memref<1x100000xf32, #tpu.memory_space<hbm>> -> memref<100000xf32, #tpu.memory_space<hbm>>
      tpu.enqueue_dma source(%dma_start3A_180 : memref<100000xf32, #tpu.memory_space<hbm>>) target(%arg6 : memref<100000xf32, #tpu.memory_space<vmem>>) target_semaphore(%run_scoped3A : memref<!tpu.dma_semaphore, #tpu.memory_space<semaphore_mem>>)
      %dma_wait3A = arith.constant 0 : i32
      %dma_wait3A_181 = tpu.memref_slice %arg3[%add3A_4, %dma_wait3A] : memref<512x100000xf32, #tpu.memory_space<hbm>> -> memref<1x100000xf32, #tpu.memory_space<hbm>>
      %dma_wait3A_182 = tpu.memref_squeeze %dma_wait3A_181 : memref<1x100000xf32, #tpu.memory_space<hbm>> -> memref<100000xf32, #tpu.memory_space<hbm>>
      %dma_wait3A_183 = arith.constant 0 : i32
      %dma_wait3A_184 = tpu.memref_slice %arg3[%add3A_4, %dma_wait3A_183] : memref<512x100000xf32, #tpu.memory_space<hbm>> -> memref<1x100000xf32, #tpu.memory_space<hbm>>
      %dma_wait3A_185 = tpu.memref_squeeze %dma_wait3A_184 : memref<1x100000xf32, #tpu.memory_space<hbm>> -> memref<100000xf32, #tpu.memory_space<hbm>>
      tpu.wait_dma2 semaphore(%run_scoped3A : memref<!tpu.dma_semaphore, #tpu.memory_space<semaphore_mem>>) src(%dma_wait3A_185 : memref<100000xf32, #tpu.memory_space<hbm>>) dst(%arg6 : memref<100000xf32, #tpu.memory_space<vmem>>)
      tpu.yield
    }) : () -> ()
    %scan3A = arith.constant 0 : i32
    %scan3A_5 = arith.constant 0 : i32
    %scan3A_6 = arith.constant 256 : i32
    %scan3A_7 = arith.addi %scan3A_5, %scan3A_6 : i32
    %scan3A_8 = arith.constant 1 : i32
    %scan3A_9 = scf.for %scan3A_176 = %scan3A_5 to %scan3A_7 step %scan3A_8 iter_args(%scan3A_177 = %scan3A) -> (i32)  : i32 {
      %mul3A_178 = arith.constant 16 : i32
      %mul3A_179 = arith.muli %scan3A_176, %mul3A_178 : i32
      %get3A = arith.index_cast %mul3A_179 : i32 to index
      %get3A_180 = tpu.vector_load %arg5[%get3A] {strides = array<i32>} : memref<4096xi32, #tpu.memory_space<vmem>>, vector<16xi32>,
      %gather3A = tpu.vector_load_idx %arg6[%get3A_180] : memref<100000xf32, #tpu.memory_space<vmem>>[vector<16xi32>], vector<16xf32>,
      %mul3A_181 = arith.constant 16 : i32
      %mul3A_182 = arith.muli %scan3A_176, %mul3A_181 : i32
      %swap3A = arith.index_cast %mul3A_182 : i32 to index
      %swap3A_183 = tpu.vector_load %arg7[%swap3A] {strides = array<i32>} : memref<4096xf32, #tpu.memory_space<vmem>>, vector<16xf32>,
      tpu.vector_store %arg7[%swap3A], %gather3A {strides = array<i32>} : memref<4096xf32, #tpu.memory_space<vmem>>, vector<16xf32>,
      %scan3A_184 = arith.constant 0 : i32
      scf.yield %scan3A_184 : i32
    }
    %scan3A_10 = arith.constant 256 : i32
    "tpu.region"() ({
      %run_scoped3A = tpu.sem_alloc : memref<!tpu.dma_semaphore, #tpu.memory_space<semaphore_mem>>
      %dma_start3A = arith.constant 0 : i32
      %dma_start3A_176 = tpu.memref_slice %arg4[%add3A_4, %dma_start3A] : memref<512x4096xf32, #tpu.memory_space<hbm>> -> memref<1x4096xf32, #tpu.memory_space<hbm>>
      %dma_start3A_177 = tpu.memref_squeeze %dma_start3A_176 : memref<1x4096xf32, #tpu.memory_space<hbm>> -> memref<4096xf32, #tpu.memory_space<hbm>>
      %dma_start3A_178 = arith.constant 0 : i32
      %dma_start3A_179 = tpu.memref_slice %arg4[%add3A_4, %dma_start3A_178] : memref<512x4096xf32, #tpu.memory_space<hbm>> -> memref<1x4096xf32, #tpu.memory_space<hbm>>
      %dma_start3A_180 = tpu.memref_squeeze %dma_start3A_179 : memref<1x4096xf32, #tpu.memory_space<hbm>> -> memref<4096xf32, #tpu.memory_space<hbm>>
      tpu.enqueue_dma source(%arg7 : memref<4096xf32, #tpu.memory_space<vmem>>) target(%dma_start3A_180 : memref<4096xf32, #tpu.memory_space<hbm>>) target_semaphore(%run_scoped3A : memref<!tpu.dma_semaphore, #tpu.memory_space<semaphore_mem>>)
      %dma_wait3A = arith.constant 0 : i32
      %dma_wait3A_181 = tpu.memref_slice %arg4[%add3A_4, %dma_wait3A] : memref<512x4096xf32, #tpu.memory_space<hbm>> -> memref<1x4096xf32, #tpu.memory_space<hbm>>
      %dma_wait3A_182 = tpu.memref_squeeze %dma_wait3A_181 : memref<1x4096xf32, #tpu.memory_space<hbm>> -> memref<4096xf32, #tpu.memory_space<hbm>>
      %dma_wait3A_183 = arith.constant 0 : i32
      %dma_wait3A_184 = tpu.memref_slice %arg4[%add3A_4, %dma_wait3A_183] : memref<512x4096xf32, #tpu.memory_space<hbm>> -> memref<1x4096xf32, #tpu.memory_space<hbm>>
      %dma_wait3A_185 = tpu.memref_squeeze %dma_wait3A_184 : memref<1x4096xf32, #tpu.memory_space<hbm>> -> memref<4096xf32, #tpu.memory_space<hbm>>
      tpu.wait_dma2 semaphore(%run_scoped3A : memref<!tpu.dma_semaphore, #tpu.memory_space<semaphore_mem>>) src(%arg7 : memref<4096xf32, #tpu.memory_space<vmem>>) dst(%dma_wait3A_185 : memref<4096xf32, #tpu.memory_space<hbm>>)
      tpu.yield
    }) : () -> ()
    %mul3A_11 = arith.constant 16 : i32
    %mul3A_12 = arith.muli %add3A, %mul3A_11 : i32
    %add3A_13 = arith.constant 1 : i32
    %add3A_14 = arith.addi %mul3A_12, %add3A_13 : i32
    "tpu.region"() ({
      %run_scoped3A = tpu.sem_alloc : memref<!tpu.dma_semaphore, #tpu.memory_space<semaphore_mem>>
      %dma_start3A = arith.constant 0 : i32
      %dma_start3A_176 = tpu.memref_slice %arg3[%add3A_14, %dma_start3A] : memref<512x100000xf32, #tpu.memory_space<hbm>> -> memref<1x100000xf32, #tpu.memory_space<hbm>>
      %dma_start3A_177 = tpu.memref_squeeze %dma_start3A_176 : memref<1x100000xf32, #tpu.memory_space<hbm>> -> memref<100000xf32, #tpu.memory_space<hbm>>
      %dma_start3A_178 = arith.constant 0 : i32
      %dma_start3A_179 = tpu.memref_slice %arg3[%add3A_14, %dma_start3A_178] : memref<512x100000xf32, #tpu.memory_space<hbm>> -> memref<1x100000xf32, #tpu.memory_space<hbm>>
      %dma_start3A_180 = tpu.memref_squeeze %dma_start3A_179 : memref<1x100000xf32, #tpu.memory_space<hbm>> -> memref<100000xf32, #tpu.memory_space<hbm>>
      tpu.enqueue_dma source(%dma_start3A_180 : memref<100000xf32, #tpu.memory_space<hbm>>) target(%arg6 : memref<100000xf32, #tpu.memory_space<vmem>>) target_semaphore(%run_scoped3A : memref<!tpu.dma_semaphore, #tpu.memory_space<semaphore_mem>>)
      %dma_wait3A = arith.constant 0 : i32
      %dma_wait3A_181 = tpu.memref_slice %arg3[%add3A_14, %dma_wait3A] : memref<512x100000xf32, #tpu.memory_space<hbm>> -> memref<1x100000xf32, #tpu.memory_space<hbm>>
      %dma_wait3A_182 = tpu.memref_squeeze %dma_wait3A_181 : memref<1x100000xf32, #tpu.memory_space<hbm>> -> memref<100000xf32, #tpu.memory_space<hbm>>
      %dma_wait3A_183 = arith.constant 0 : i32
      %dma_wait3A_184 = tpu.memref_slice %arg3[%add3A_14, %dma_wait3A_183] : memref<512x100000xf32, #tpu.memory_space<hbm>> -> memref<1x100000xf32, #tpu.memory_space<hbm>>
      %dma_wait3A_185 = tpu.memref_squeeze %dma_wait3A_184 : memref<1x100000xf32, #tpu.memory_space<hbm>> -> memref<100000xf32, #tpu.memory_space<hbm>>
      tpu.wait_dma2 semaphore(%run_scoped3A : memref<!tpu.dma_semaphore, #tpu.memory_space<semaphore_mem>>) src(%dma_wait3A_185 : memref<100000xf32, #tpu.memory_space<hbm>>) dst(%arg6 : memref<100000xf32, #tpu.memory_space<vmem>>)
      tpu.yield
    }) : () -> ()
    %scan3A_15 = arith.constant 0 : i32
    %scan3A_16 = arith.constant 0 : i32
    %scan3A_17 = arith.constant 256 : i32
    %scan3A_18 = arith.addi %scan3A_16, %scan3A_17 : i32
    %scan3A_19 = arith.constant 1 : i32
    %scan3A_20 = scf.for %scan3A_176 = %scan3A_16 to %scan3A_18 step %scan3A_19 iter_args(%scan3A_177 = %scan3A_15) -> (i32)  : i32 {
      %mul3A_178 = arith.constant 16 : i32
      %mul3A_179 = arith.muli %scan3A_176, %mul3A_178 : i32
      %get3A = arith.index_cast %mul3A_179 : i32 to index
      %get3A_180 = tpu.vector_load %arg5[%get3A] {strides = array<i32>} : memref<4096xi32, #tpu.memory_space<vmem>>, vector<16xi32>,
      %gather3A = tpu.vector_load_idx %arg6[%get3A_180] : memref<100000xf32, #tpu.memory_space<vmem>>[vector<16xi32>], vector<16xf32>,
      %mul3A_181 = arith.constant 16 : i32
      %mul3A_182 = arith.muli %scan3A_176, %mul3A_181 : i32
      %swap3A = arith.index_cast %mul3A_182 : i32 to index
      %swap3A_183 = tpu.vector_load %arg7[%swap3A] {strides = array<i32>} : memref<4096xf32, #tpu.memory_space<vmem>>, vector<16xf32>,
      tpu.vector_store %arg7[%swap3A], %gather3A {strides = array<i32>} : memref<4096xf32, #tpu.memory_space<vmem>>, vector<16xf32>,
      %scan3A_184 = arith.constant 0 : i32
      scf.yield %scan3A_184 : i32
    }
    %scan3A_21 = arith.constant 256 : i32
    "tpu.region"() ({
      %run_scoped3A = tpu.sem_alloc : memref<!tpu.dma_semaphore, #tpu.memory_space<semaphore_mem>>
      %dma_start3A = arith.constant 0 : i32
      %dma_start3A_176 = tpu.memref_slice %arg4[%add3A_14, %dma_start3A] : memref<512x4096xf32, #tpu.memory_space<hbm>> -> memref<1x4096xf32, #tpu.memory_space<hbm>>
      %dma_start3A_177 = tpu.memref_squeeze %dma_start3A_176 : memref<1x4096xf32, #tpu.memory_space<hbm>> -> memref<4096xf32, #tpu.memory_space<hbm>>
      %dma_start3A_178 = arith.constant 0 : i32
      %dma_start3A_179 = tpu.memref_slice %arg4[%add3A_14, %dma_start3A_178] : memref<512x4096xf32, #tpu.memory_space<hbm>> -> memref<1x4096xf32, #tpu.memory_space<hbm>>
      %dma_start3A_180 = tpu.memref_squeeze %dma_start3A_179 : memref<1x4096xf32, #tpu.memory_space<hbm>> -> memref<4096xf32, #tpu.memory_space<hbm>>
      tpu.enqueue_dma source(%arg7 : memref<4096xf32, #tpu.memory_space<vmem>>) target(%dma_start3A_180 : memref<4096xf32, #tpu.memory_space<hbm>>) target_semaphore(%run_scoped3A : memref<!tpu.dma_semaphore, #tpu.memory_space<semaphore_mem>>)
      %dma_wait3A = arith.constant 0 : i32
      %dma_wait3A_181 = tpu.memref_slice %arg4[%add3A_14, %dma_wait3A] : memref<512x4096xf32, #tpu.memory_space<hbm>> -> memref<1x4096xf32, #tpu.memory_space<hbm>>
      %dma_wait3A_182 = tpu.memref_squeeze %dma_wait3A_181 : memref<1x4096xf32, #tpu.memory_space<hbm>> -> memref<4096xf32, #tpu.memory_space<hbm>>
      %dma_wait3A_183 = arith.constant 0 : i32
      %dma_wait3A_184 = tpu.memref_slice %arg4[%add3A_14, %dma_wait3A_183] : memref<512x4096xf32, #tpu.memory_space<hbm>> -> memref<1x4096xf32, #tpu.memory_space<hbm>>
      %dma_wait3A_185 = tpu.memref_squeeze %dma_wait3A_184 : memref<1x4096xf32, #tpu.memory_space<hbm>> -> memref<4096xf32, #tpu.memory_space<hbm>>
      tpu.wait_dma2 semaphore(%run_scoped3A : memref<!tpu.dma_semaphore, #tpu.memory_space<semaphore_mem>>) src(%arg7 : memref<4096xf32, #tpu.memory_space<vmem>>) dst(%dma_wait3A_185 : memref<4096xf32, #tpu.memory_space<hbm>>)
      tpu.yield
    }) : () -> ()
    %mul3A_22 = arith.constant 16 : i32
    %mul3A_23 = arith.muli %add3A, %mul3A_22 : i32
    %add3A_24 = arith.constant 2 : i32
    %add3A_25 = arith.addi %mul3A_23, %add3A_24 : i32
    "tpu.region"() ({
      %run_scoped3A = tpu.sem_alloc : memref<!tpu.dma_semaphore, #tpu.memory_space<semaphore_mem>>
      %dma_start3A = arith.constant 0 : i32
      %dma_start3A_176 = tpu.memref_slice %arg3[%add3A_25, %dma_start3A] : memref<512x100000xf32, #tpu.memory_space<hbm>> -> memref<1x100000xf32, #tpu.memory_space<hbm>>
      %dma_start3A_177 = tpu.memref_squeeze %dma_start3A_176 : memref<1x100000xf32, #tpu.memory_space<hbm>> -> memref<100000xf32, #tpu.memory_space<hbm>>
      %dma_start3A_178 = arith.constant 0 : i32
      %dma_start3A_179 = tpu.memref_slice %arg3[%add3A_25, %dma_start3A_178] : memref<512x100000xf32, #tpu.memory_space<hbm>> -> memref<1x100000xf32, #tpu.memory_space<hbm>>
      %dma_start3A_180 = tpu.memref_squeeze %dma_start3A_179 : memref<1x100000xf32, #tpu.memory_space<hbm>> -> memref<100000xf32, #tpu.memory_space<hbm>>
      tpu.enqueue_dma source(%dma_start3A_180 : memref<100000xf32, #tpu.memory_space<hbm>>) target(%arg6 : memref<100000xf32, #tpu.memory_space<vmem>>) target_semaphore(%run_scoped3A : memref<!tpu.dma_semaphore, #tpu.memory_space<semaphore_mem>>)
      %dma_wait3A = arith.constant 0 : i32
      %dma_wait3A_181 = tpu.memref_slice %arg3[%add3A_25, %dma_wait3A] : memref<512x100000xf32, #tpu.memory_space<hbm>> -> memref<1x100000xf32, #tpu.memory_space<hbm>>
      %dma_wait3A_182 = tpu.memref_squeeze %dma_wait3A_181 : memref<1x100000xf32, #tpu.memory_space<hbm>> -> memref<100000xf32, #tpu.memory_space<hbm>>
      %dma_wait3A_183 = arith.constant 0 : i32
      %dma_wait3A_184 = tpu.memref_slice %arg3[%add3A_25, %dma_wait3A_183] : memref<512x100000xf32, #tpu.memory_space<hbm>> -> memref<1x100000xf32, #tpu.memory_space<hbm>>
      %dma_wait3A_185 = tpu.memref_squeeze %dma_wait3A_184 : memref<1x100000xf32, #tpu.memory_space<hbm>> -> memref<100000xf32, #tpu.memory_space<hbm>>
      tpu.wait_dma2 semaphore(%run_scoped3A : memref<!tpu.dma_semaphore, #tpu.memory_space<semaphore_mem>>) src(%dma_wait3A_185 : memref<100000xf32, #tpu.memory_space<hbm>>) dst(%arg6 : memref<100000xf32, #tpu.memory_space<vmem>>)
      tpu.yield
    }) : () -> ()
    %scan3A_26 = arith.constant 0 : i32
    %scan3A_27 = arith.constant 0 : i32
    %scan3A_28 = arith.constant 256 : i32
    %scan3A_29 = arith.addi %scan3A_27, %scan3A_28 : i32
    %scan3A_30 = arith.constant 1 : i32
    %scan3A_31 = scf.for %scan3A_176 = %scan3A_27 to %scan3A_29 step %scan3A_30 iter_args(%scan3A_177 = %scan3A_26) -> (i32)  : i32 {
      %mul3A_178 = arith.constant 16 : i32
      %mul3A_179 = arith.muli %scan3A_176, %mul3A_178 : i32
      %get3A = arith.index_cast %mul3A_179 : i32 to index
      %get3A_180 = tpu.vector_load %arg5[%get3A] {strides = array<i32>} : memref<4096xi32, #tpu.memory_space<vmem>>, vector<16xi32>,
      %gather3A = tpu.vector_load_idx %arg6[%get3A_180] : memref<100000xf32, #tpu.memory_space<vmem>>[vector<16xi32>], vector<16xf32>,
      %mul3A_181 = arith.constant 16 : i32
      %mul3A_182 = arith.muli %scan3A_176, %mul3A_181 : i32
      %swap3A = arith.index_cast %mul3A_182 : i32 to index
      %swap3A_183 = tpu.vector_load %arg7[%swap3A] {strides = array<i32>} : memref<4096xf32, #tpu.memory_space<vmem>>, vector<16xf32>,
      tpu.vector_store %arg7[%swap3A], %gather3A {strides = array<i32>} : memref<4096xf32, #tpu.memory_space<vmem>>, vector<16xf32>,
      %scan3A_184 = arith.constant 0 : i32
      scf.yield %scan3A_184 : i32
    }
    %scan3A_32 = arith.constant 256 : i32
    "tpu.region"() ({
      %run_scoped3A = tpu.sem_alloc : memref<!tpu.dma_semaphore, #tpu.memory_space<semaphore_mem>>
      %dma_start3A = arith.constant 0 : i32
      %dma_start3A_176 = tpu.memref_slice %arg4[%add3A_25, %dma_start3A] : memref<512x4096xf32, #tpu.memory_space<hbm>> -> memref<1x4096xf32, #tpu.memory_space<hbm>>
      %dma_start3A_177 = tpu.memref_squeeze %dma_start3A_176 : memref<1x4096xf32, #tpu.memory_space<hbm>> -> memref<4096xf32, #tpu.memory_space<hbm>>
      %dma_start3A_178 = arith.constant 0 : i32
      %dma_start3A_179 = tpu.memref_slice %arg4[%add3A_25, %dma_start3A_178] : memref<512x4096xf32, #tpu.memory_space<hbm>> -> memref<1x4096xf32, #tpu.memory_space<hbm>>
      %dma_start3A_180 = tpu.memref_squeeze %dma_start3A_179 : memref<1x4096xf32, #tpu.memory_space<hbm>> -> memref<4096xf32, #tpu.memory_space<hbm>>
      tpu.enqueue_dma source(%arg7 : memref<4096xf32, #tpu.memory_space<vmem>>) target(%dma_start3A_180 : memref<4096xf32, #tpu.memory_space<hbm>>) target_semaphore(%run_scoped3A : memref<!tpu.dma_semaphore, #tpu.memory_space<semaphore_mem>>)
      %dma_wait3A = arith.constant 0 : i32
      %dma_wait3A_181 = tpu.memref_slice %arg4[%add3A_25, %dma_wait3A] : memref<512x4096xf32, #tpu.memory_space<hbm>> -> memref<1x4096xf32, #tpu.memory_space<hbm>>
      %dma_wait3A_182 = tpu.memref_squeeze %dma_wait3A_181 : memref<1x4096xf32, #tpu.memory_space<hbm>> -> memref<4096xf32, #tpu.memory_space<hbm>>
      %dma_wait3A_183 = arith.constant 0 : i32
      %dma_wait3A_184 = tpu.memref_slice %arg4[%add3A_25, %dma_wait3A_183] : memref<512x4096xf32, #tpu.memory_space<hbm>> -> memref<1x4096xf32, #tpu.memory_space<hbm>>
      %dma_wait3A_185 = tpu.memref_squeeze %dma_wait3A_184 : memref<1x4096xf32, #tpu.memory_space<hbm>> -> memref<4096xf32, #tpu.memory_space<hbm>>
      tpu.wait_dma2 semaphore(%run_scoped3A : memref<!tpu.dma_semaphore, #tpu.memory_space<semaphore_mem>>) src(%arg7 : memref<4096xf32, #tpu.memory_space<vmem>>) dst(%dma_wait3A_185 : memref<4096xf32, #tpu.memory_space<hbm>>)
      tpu.yield
    }) : () -> ()
    %mul3A_33 = arith.constant 16 : i32
    %mul3A_34 = arith.muli %add3A, %mul3A_33 : i32
    %add3A_35 = arith.constant 3 : i32
    %add3A_36 = arith.addi %mul3A_34, %add3A_35 : i32
    "tpu.region"() ({
      %run_scoped3A = tpu.sem_alloc : memref<!tpu.dma_semaphore, #tpu.memory_space<semaphore_mem>>
      %dma_start3A = arith.constant 0 : i32
      %dma_start3A_176 = tpu.memref_slice %arg3[%add3A_36, %dma_start3A] : memref<512x100000xf32, #tpu.memory_space<hbm>> -> memref<1x100000xf32, #tpu.memory_space<hbm>>
      %dma_start3A_177 = tpu.memref_squeeze %dma_start3A_176 : memref<1x100000xf32, #tpu.memory_space<hbm>> -> memref<100000xf32, #tpu.memory_space<hbm>>
      %dma_start3A_178 = arith.constant 0 : i32
      %dma_start3A_179 = tpu.memref_slice %arg3[%add3A_36, %dma_start3A_178] : memref<512x100000xf32, #tpu.memory_space<hbm>> -> memref<1x100000xf32, #tpu.memory_space<hbm>>
      %dma_start3A_180 = tpu.memref_squeeze %dma_start3A_179 : memref<1x100000xf32, #tpu.memory_space<hbm>> -> memref<100000xf32, #tpu.memory_space<hbm>>
      tpu.enqueue_dma source(%dma_start3A_180 : memref<100000xf32, #tpu.memory_space<hbm>>) target(%arg6 : memref<100000xf32, #tpu.memory_space<vmem>>) target_semaphore(%run_scoped3A : memref<!tpu.dma_semaphore, #tpu.memory_space<semaphore_mem>>)
      %dma_wait3A = arith.constant 0 : i32
      %dma_wait3A_181 = tpu.memref_slice %arg3[%add3A_36, %dma_wait3A] : memref<512x100000xf32, #tpu.memory_space<hbm>> -> memref<1x100000xf32, #tpu.memory_space<hbm>>
      %dma_wait3A_182 = tpu.memref_squeeze %dma_wait3A_181 : memref<1x100000xf32, #tpu.memory_space<hbm>> -> memref<100000xf32, #tpu.memory_space<hbm>>
      %dma_wait3A_183 = arith.constant 0 : i32
      %dma_wait3A_184 = tpu.memref_slice %arg3[%add3A_36, %dma_wait3A_183] : memref<512x100000xf32, #tpu.memory_space<hbm>> -> memref<1x100000xf32, #tpu.memory_space<hbm>>
      %dma_wait3A_185 = tpu.memref_squeeze %dma_wait3A_184 : memref<1x100000xf32, #tpu.memory_space<hbm>> -> memref<100000xf32, #tpu.memory_space<hbm>>
      tpu.wait_dma2 semaphore(%run_scoped3A : memref<!tpu.dma_semaphore, #tpu.memory_space<semaphore_mem>>) src(%dma_wait3A_185 : memref<100000xf32, #tpu.memory_space<hbm>>) dst(%arg6 : memref<100000xf32, #tpu.memory_space<vmem>>)
      tpu.yield
    }) : () -> ()
    %scan3A_37 = arith.constant 0 : i32
    %scan3A_38 = arith.constant 0 : i32
    %scan3A_39 = arith.constant 256 : i32
    %scan3A_40 = arith.addi %scan3A_38, %scan3A_39 : i32
    %scan3A_41 = arith.constant 1 : i32
    %scan3A_42 = scf.for %scan3A_176 = %scan3A_38 to %scan3A_40 step %scan3A_41 iter_args(%scan3A_177 = %scan3A_37) -> (i32)  : i32 {
      %mul3A_178 = arith.constant 16 : i32
      %mul3A_179 = arith.muli %scan3A_176, %mul3A_178 : i32
      %get3A = arith.index_cast %mul3A_179 : i32 to index
      %get3A_180 = tpu.vector_load %arg5[%get3A] {strides = array<i32>} : memref<4096xi32, #tpu.memory_space<vmem>>, vector<16xi32>,
      %gather3A = tpu.vector_load_idx %arg6[%get3A_180] : memref<100000xf32, #tpu.memory_space<vmem>>[vector<16xi32>], vector<16xf32>,
      %mul3A_181 = arith.constant 16 : i32
      %mul3A_182 = arith.muli %scan3A_176, %mul3A_181 : i32
      %swap3A = arith.index_cast %mul3A_182 : i32 to index
      %swap3A_183 = tpu.vector_load %arg7[%swap3A] {strides = array<i32>} : memref<4096xf32, #tpu.memory_space<vmem>>, vector<16xf32>,
      tpu.vector_store %arg7[%swap3A], %gather3A {strides = array<i32>} : memref<4096xf32, #tpu.memory_space<vmem>>, vector<16xf32>,
      %scan3A_184 = arith.constant 0 : i32
      scf.yield %scan3A_184 : i32
    }
    %scan3A_43 = arith.constant 256 : i32
    "tpu.region"() ({
      %run_scoped3A = tpu.sem_alloc : memref<!tpu.dma_semaphore, #tpu.memory_space<semaphore_mem>>
      %dma_start3A = arith.constant 0 : i32
      %dma_start3A_176 = tpu.memref_slice %arg4[%add3A_36, %dma_start3A] : memref<512x4096xf32, #tpu.memory_space<hbm>> -> memref<1x4096xf32, #tpu.memory_space<hbm>>
      %dma_start3A_177 = tpu.memref_squeeze %dma_start3A_176 : memref<1x4096xf32, #tpu.memory_space<hbm>> -> memref<4096xf32, #tpu.memory_space<hbm>>
      %dma_start3A_178 = arith.constant 0 : i32
      %dma_start3A_179 = tpu.memref_slice %arg4[%add3A_36, %dma_start3A_178] : memref<512x4096xf32, #tpu.memory_space<hbm>> -> memref<1x4096xf32, #tpu.memory_space<hbm>>
      %dma_start3A_180 = tpu.memref_squeeze %dma_start3A_179 : memref<1x4096xf32, #tpu.memory_space<hbm>> -> memref<4096xf32, #tpu.memory_space<hbm>>
      tpu.enqueue_dma source(%arg7 : memref<4096xf32, #tpu.memory_space<vmem>>) target(%dma_start3A_180 : memref<4096xf32, #tpu.memory_space<hbm>>) target_semaphore(%run_scoped3A : memref<!tpu.dma_semaphore, #tpu.memory_space<semaphore_mem>>)
      %dma_wait3A = arith.constant 0 : i32
      %dma_wait3A_181 = tpu.memref_slice %arg4[%add3A_36, %dma_wait3A] : memref<512x4096xf32, #tpu.memory_space<hbm>> -> memref<1x4096xf32, #tpu.memory_space<hbm>>
      %dma_wait3A_182 = tpu.memref_squeeze %dma_wait3A_181 : memref<1x4096xf32, #tpu.memory_space<hbm>> -> memref<4096xf32, #tpu.memory_space<hbm>>
      %dma_wait3A_183 = arith.constant 0 : i32
      %dma_wait3A_184 = tpu.memref_slice %arg4[%add3A_36, %dma_wait3A_183] : memref<512x4096xf32, #tpu.memory_space<hbm>> -> memref<1x4096xf32, #tpu.memory_space<hbm>>
      %dma_wait3A_185 = tpu.memref_squeeze %dma_wait3A_184 : memref<1x4096xf32, #tpu.memory_space<hbm>> -> memref<4096xf32, #tpu.memory_space<hbm>>
      tpu.wait_dma2 semaphore(%run_scoped3A : memref<!tpu.dma_semaphore, #tpu.memory_space<semaphore_mem>>) src(%arg7 : memref<4096xf32, #tpu.memory_space<vmem>>) dst(%dma_wait3A_185 : memref<4096xf32, #tpu.memory_space<hbm>>)
      tpu.yield
    }) : () -> ()
    %mul3A_44 = arith.constant 16 : i32
    %mul3A_45 = arith.muli %add3A, %mul3A_44 : i32
    %add3A_46 = arith.constant 4 : i32
    %add3A_47 = arith.addi %mul3A_45, %add3A_46 : i32
    "tpu.region"() ({
      %run_scoped3A = tpu.sem_alloc : memref<!tpu.dma_semaphore, #tpu.memory_space<semaphore_mem>>
      %dma_start3A = arith.constant 0 : i32
      %dma_start3A_176 = tpu.memref_slice %arg3[%add3A_47, %dma_start3A] : memref<512x100000xf32, #tpu.memory_space<hbm>> -> memref<1x100000xf32, #tpu.memory_space<hbm>>
      %dma_start3A_177 = tpu.memref_squeeze %dma_start3A_176 : memref<1x100000xf32, #tpu.memory_space<hbm>> -> memref<100000xf32, #tpu.memory_space<hbm>>
      %dma_start3A_178 = arith.constant 0 : i32
      %dma_start3A_179 = tpu.memref_slice %arg3[%add3A_47, %dma_start3A_178] : memref<512x100000xf32, #tpu.memory_space<hbm>> -> memref<1x100000xf32, #tpu.memory_space<hbm>>
      %dma_start3A_180 = tpu.memref_squeeze %dma_start3A_179 : memref<1x100000xf32, #tpu.memory_space<hbm>> -> memref<100000xf32, #tpu.memory_space<hbm>>
      tpu.enqueue_dma source(%dma_start3A_180 : memref<100000xf32, #tpu.memory_space<hbm>>) target(%arg6 : memref<100000xf32, #tpu.memory_space<vmem>>) target_semaphore(%run_scoped3A : memref<!tpu.dma_semaphore, #tpu.memory_space<semaphore_mem>>)
      %dma_wait3A = arith.constant 0 : i32
      %dma_wait3A_181 = tpu.memref_slice %arg3[%add3A_47, %dma_wait3A] : memref<512x100000xf32, #tpu.memory_space<hbm>> -> memref<1x100000xf32, #tpu.memory_space<hbm>>
      %dma_wait3A_182 = tpu.memref_squeeze %dma_wait3A_181 : memref<1x100000xf32, #tpu.memory_space<hbm>> -> memref<100000xf32, #tpu.memory_space<hbm>>
      %dma_wait3A_183 = arith.constant 0 : i32
      %dma_wait3A_184 = tpu.memref_slice %arg3[%add3A_47, %dma_wait3A_183] : memref<512x100000xf32, #tpu.memory_space<hbm>> -> memref<1x100000xf32, #tpu.memory_space<hbm>>
      %dma_wait3A_185 = tpu.memref_squeeze %dma_wait3A_184 : memref<1x100000xf32, #tpu.memory_space<hbm>> -> memref<100000xf32, #tpu.memory_space<hbm>>
      tpu.wait_dma2 semaphore(%run_scoped3A : memref<!tpu.dma_semaphore, #tpu.memory_space<semaphore_mem>>) src(%dma_wait3A_185 : memref<100000xf32, #tpu.memory_space<hbm>>) dst(%arg6 : memref<100000xf32, #tpu.memory_space<vmem>>)
      tpu.yield
    }) : () -> ()
    %scan3A_48 = arith.constant 0 : i32
    %scan3A_49 = arith.constant 0 : i32
    %scan3A_50 = arith.constant 256 : i32
    %scan3A_51 = arith.addi %scan3A_49, %scan3A_50 : i32
    %scan3A_52 = arith.constant 1 : i32
    %scan3A_53 = scf.for %scan3A_176 = %scan3A_49 to %scan3A_51 step %scan3A_52 iter_args(%scan3A_177 = %scan3A_48) -> (i32)  : i32 {
      %mul3A_178 = arith.constant 16 : i32
      %mul3A_179 = arith.muli %scan3A_176, %mul3A_178 : i32
      %get3A = arith.index_cast %mul3A_179 : i32 to index
      %get3A_180 = tpu.vector_load %arg5[%get3A] {strides = array<i32>} : memref<4096xi32, #tpu.memory_space<vmem>>, vector<16xi32>,
      %gather3A = tpu.vector_load_idx %arg6[%get3A_180] : memref<100000xf32, #tpu.memory_space<vmem>>[vector<16xi32>], vector<16xf32>,
      %mul3A_181 = arith.constant 16 : i32
      %mul3A_182 = arith.muli %scan3A_176, %mul3A_181 : i32
      %swap3A = arith.index_cast %mul3A_182 : i32 to index
      %swap3A_183 = tpu.vector_load %arg7[%swap3A] {strides = array<i32>} : memref<4096xf32, #tpu.memory_space<vmem>>, vector<16xf32>,
      tpu.vector_store %arg7[%swap3A], %gather3A {strides = array<i32>} : memref<4096xf32, #tpu.memory_space<vmem>>, vector<16xf32>,
      %scan3A_184 = arith.constant 0 : i32
      scf.yield %scan3A_184 : i32
    }
    %scan3A_54 = arith.constant 256 : i32
    "tpu.region"() ({
      %run_scoped3A = tpu.sem_alloc : memref<!tpu.dma_semaphore, #tpu.memory_space<semaphore_mem>>
      %dma_start3A = arith.constant 0 : i32
      %dma_start3A_176 = tpu.memref_slice %arg4[%add3A_47, %dma_start3A] : memref<512x4096xf32, #tpu.memory_space<hbm>> -> memref<1x4096xf32, #tpu.memory_space<hbm>>
      %dma_start3A_177 = tpu.memref_squeeze %dma_start3A_176 : memref<1x4096xf32, #tpu.memory_space<hbm>> -> memref<4096xf32, #tpu.memory_space<hbm>>
      %dma_start3A_178 = arith.constant 0 : i32
      %dma_start3A_179 = tpu.memref_slice %arg4[%add3A_47, %dma_start3A_178] : memref<512x4096xf32, #tpu.memory_space<hbm>> -> memref<1x4096xf32, #tpu.memory_space<hbm>>
      %dma_start3A_180 = tpu.memref_squeeze %dma_start3A_179 : memref<1x4096xf32, #tpu.memory_space<hbm>> -> memref<4096xf32, #tpu.memory_space<hbm>>
      tpu.enqueue_dma source(%arg7 : memref<4096xf32, #tpu.memory_space<vmem>>) target(%dma_start3A_180 : memref<4096xf32, #tpu.memory_space<hbm>>) target_semaphore(%run_scoped3A : memref<!tpu.dma_semaphore, #tpu.memory_space<semaphore_mem>>)
      %dma_wait3A = arith.constant 0 : i32
      %dma_wait3A_181 = tpu.memref_slice %arg4[%add3A_47, %dma_wait3A] : memref<512x4096xf32, #tpu.memory_space<hbm>> -> memref<1x4096xf32, #tpu.memory_space<hbm>>
      %dma_wait3A_182 = tpu.memref_squeeze %dma_wait3A_181 : memref<1x4096xf32, #tpu.memory_space<hbm>> -> memref<4096xf32, #tpu.memory_space<hbm>>
      %dma_wait3A_183 = arith.constant 0 : i32
      %dma_wait3A_184 = tpu.memref_slice %arg4[%add3A_47, %dma_wait3A_183] : memref<512x4096xf32, #tpu.memory_space<hbm>> -> memref<1x4096xf32, #tpu.memory_space<hbm>>
      %dma_wait3A_185 = tpu.memref_squeeze %dma_wait3A_184 : memref<1x4096xf32, #tpu.memory_space<hbm>> -> memref<4096xf32, #tpu.memory_space<hbm>>
      tpu.wait_dma2 semaphore(%run_scoped3A : memref<!tpu.dma_semaphore, #tpu.memory_space<semaphore_mem>>) src(%arg7 : memref<4096xf32, #tpu.memory_space<vmem>>) dst(%dma_wait3A_185 : memref<4096xf32, #tpu.memory_space<hbm>>)
      tpu.yield
    }) : () -> ()
    %mul3A_55 = arith.constant 16 : i32
    %mul3A_56 = arith.muli %add3A, %mul3A_55 : i32
    %add3A_57 = arith.constant 5 : i32
    %add3A_58 = arith.addi %mul3A_56, %add3A_57 : i32
    "tpu.region"() ({
      %run_scoped3A = tpu.sem_alloc : memref<!tpu.dma_semaphore, #tpu.memory_space<semaphore_mem>>
      %dma_start3A = arith.constant 0 : i32
      %dma_start3A_176 = tpu.memref_slice %arg3[%add3A_58, %dma_start3A] : memref<512x100000xf32, #tpu.memory_space<hbm>> -> memref<1x100000xf32, #tpu.memory_space<hbm>>
      %dma_start3A_177 = tpu.memref_squeeze %dma_start3A_176 : memref<1x100000xf32, #tpu.memory_space<hbm>> -> memref<100000xf32, #tpu.memory_space<hbm>>
      %dma_start3A_178 = arith.constant 0 : i32
      %dma_start3A_179 = tpu.memref_slice %arg3[%add3A_58, %dma_start3A_178] : memref<512x100000xf32, #tpu.memory_space<hbm>> -> memref<1x100000xf32, #tpu.memory_space<hbm>>
      %dma_start3A_180 = tpu.memref_squeeze %dma_start3A_179 : memref<1x100000xf32, #tpu.memory_space<hbm>> -> memref<100000xf32, #tpu.memory_space<hbm>>
      tpu.enqueue_dma source(%dma_start3A_180 : memref<100000xf32, #tpu.memory_space<hbm>>) target(%arg6 : memref<100000xf32, #tpu.memory_space<vmem>>) target_semaphore(%run_scoped3A : memref<!tpu.dma_semaphore, #tpu.memory_space<semaphore_mem>>)
      %dma_wait3A = arith.constant 0 : i32
      %dma_wait3A_181 = tpu.memref_slice %arg3[%add3A_58, %dma_wait3A] : memref<512x100000xf32, #tpu.memory_space<hbm>> -> memref<1x100000xf32, #tpu.memory_space<hbm>>
      %dma_wait3A_182 = tpu.memref_squeeze %dma_wait3A_181 : memref<1x100000xf32, #tpu.memory_space<hbm>> -> memref<100000xf32, #tpu.memory_space<hbm>>
      %dma_wait3A_183 = arith.constant 0 : i32
      %dma_wait3A_184 = tpu.memref_slice %arg3[%add3A_58, %dma_wait3A_183] : memref<512x100000xf32, #tpu.memory_space<hbm>> -> memref<1x100000xf32, #tpu.memory_space<hbm>>
      %dma_wait3A_185 = tpu.memref_squeeze %dma_wait3A_184 : memref<1x100000xf32, #tpu.memory_space<hbm>> -> memref<100000xf32, #tpu.memory_space<hbm>>
      tpu.wait_dma2 semaphore(%run_scoped3A : memref<!tpu.dma_semaphore, #tpu.memory_space<semaphore_mem>>) src(%dma_wait3A_185 : memref<100000xf32, #tpu.memory_space<hbm>>) dst(%arg6 : memref<100000xf32, #tpu.memory_space<vmem>>)
      tpu.yield
    }) : () -> ()
    %scan3A_59 = arith.constant 0 : i32
    %scan3A_60 = arith.constant 0 : i32
    %scan3A_61 = arith.constant 256 : i32
    %scan3A_62 = arith.addi %scan3A_60, %scan3A_61 : i32
    %scan3A_63 = arith.constant 1 : i32
    %scan3A_64 = scf.for %scan3A_176 = %scan3A_60 to %scan3A_62 step %scan3A_63 iter_args(%scan3A_177 = %scan3A_59) -> (i32)  : i32 {
      %mul3A_178 = arith.constant 16 : i32
      %mul3A_179 = arith.muli %scan3A_176, %mul3A_178 : i32
      %get3A = arith.index_cast %mul3A_179 : i32 to index
      %get3A_180 = tpu.vector_load %arg5[%get3A] {strides = array<i32>} : memref<4096xi32, #tpu.memory_space<vmem>>, vector<16xi32>,
      %gather3A = tpu.vector_load_idx %arg6[%get3A_180] : memref<100000xf32, #tpu.memory_space<vmem>>[vector<16xi32>], vector<16xf32>,
      %mul3A_181 = arith.constant 16 : i32
      %mul3A_182 = arith.muli %scan3A_176, %mul3A_181 : i32
      %swap3A = arith.index_cast %mul3A_182 : i32 to index
      %swap3A_183 = tpu.vector_load %arg7[%swap3A] {strides = array<i32>} : memref<4096xf32, #tpu.memory_space<vmem>>, vector<16xf32>,
      tpu.vector_store %arg7[%swap3A], %gather3A {strides = array<i32>} : memref<4096xf32, #tpu.memory_space<vmem>>, vector<16xf32>,
      %scan3A_184 = arith.constant 0 : i32
      scf.yield %scan3A_184 : i32
    }
    %scan3A_65 = arith.constant 256 : i32
    "tpu.region"() ({
      %run_scoped3A = tpu.sem_alloc : memref<!tpu.dma_semaphore, #tpu.memory_space<semaphore_mem>>
      %dma_start3A = arith.constant 0 : i32
      %dma_start3A_176 = tpu.memref_slice %arg4[%add3A_58, %dma_start3A] : memref<512x4096xf32, #tpu.memory_space<hbm>> -> memref<1x4096xf32, #tpu.memory_space<hbm>>
      %dma_start3A_177 = tpu.memref_squeeze %dma_start3A_176 : memref<1x4096xf32, #tpu.memory_space<hbm>> -> memref<4096xf32, #tpu.memory_space<hbm>>
      %dma_start3A_178 = arith.constant 0 : i32
      %dma_start3A_179 = tpu.memref_slice %arg4[%add3A_58, %dma_start3A_178] : memref<512x4096xf32, #tpu.memory_space<hbm>> -> memref<1x4096xf32, #tpu.memory_space<hbm>>
      %dma_start3A_180 = tpu.memref_squeeze %dma_start3A_179 : memref<1x4096xf32, #tpu.memory_space<hbm>> -> memref<4096xf32, #tpu.memory_space<hbm>>
      tpu.enqueue_dma source(%arg7 : memref<4096xf32, #tpu.memory_space<vmem>>) target(%dma_start3A_180 : memref<4096xf32, #tpu.memory_space<hbm>>) target_semaphore(%run_scoped3A : memref<!tpu.dma_semaphore, #tpu.memory_space<semaphore_mem>>)
      %dma_wait3A = arith.constant 0 : i32
      %dma_wait3A_181 = tpu.memref_slice %arg4[%add3A_58, %dma_wait3A] : memref<512x4096xf32, #tpu.memory_space<hbm>> -> memref<1x4096xf32, #tpu.memory_space<hbm>>
      %dma_wait3A_182 = tpu.memref_squeeze %dma_wait3A_181 : memref<1x4096xf32, #tpu.memory_space<hbm>> -> memref<4096xf32, #tpu.memory_space<hbm>>
      %dma_wait3A_183 = arith.constant 0 : i32
      %dma_wait3A_184 = tpu.memref_slice %arg4[%add3A_58, %dma_wait3A_183] : memref<512x4096xf32, #tpu.memory_space<hbm>> -> memref<1x4096xf32, #tpu.memory_space<hbm>>
      %dma_wait3A_185 = tpu.memref_squeeze %dma_wait3A_184 : memref<1x4096xf32, #tpu.memory_space<hbm>> -> memref<4096xf32, #tpu.memory_space<hbm>>
      tpu.wait_dma2 semaphore(%run_scoped3A : memref<!tpu.dma_semaphore, #tpu.memory_space<semaphore_mem>>) src(%arg7 : memref<4096xf32, #tpu.memory_space<vmem>>) dst(%dma_wait3A_185 : memref<4096xf32, #tpu.memory_space<hbm>>)
      tpu.yield
    }) : () -> ()
    %mul3A_66 = arith.constant 16 : i32
    %mul3A_67 = arith.muli %add3A, %mul3A_66 : i32
    %add3A_68 = arith.constant 6 : i32
    %add3A_69 = arith.addi %mul3A_67, %add3A_68 : i32
    "tpu.region"() ({
      %run_scoped3A = tpu.sem_alloc : memref<!tpu.dma_semaphore, #tpu.memory_space<semaphore_mem>>
      %dma_start3A = arith.constant 0 : i32
      %dma_start3A_176 = tpu.memref_slice %arg3[%add3A_69, %dma_start3A] : memref<512x100000xf32, #tpu.memory_space<hbm>> -> memref<1x100000xf32, #tpu.memory_space<hbm>>
      %dma_start3A_177 = tpu.memref_squeeze %dma_start3A_176 : memref<1x100000xf32, #tpu.memory_space<hbm>> -> memref<100000xf32, #tpu.memory_space<hbm>>
      %dma_start3A_178 = arith.constant 0 : i32
      %dma_start3A_179 = tpu.memref_slice %arg3[%add3A_69, %dma_start3A_178] : memref<512x100000xf32, #tpu.memory_space<hbm>> -> memref<1x100000xf32, #tpu.memory_space<hbm>>
      %dma_start3A_180 = tpu.memref_squeeze %dma_start3A_179 : memref<1x100000xf32, #tpu.memory_space<hbm>> -> memref<100000xf32, #tpu.memory_space<hbm>>
      tpu.enqueue_dma source(%dma_start3A_180 : memref<100000xf32, #tpu.memory_space<hbm>>) target(%arg6 : memref<100000xf32, #tpu.memory_space<vmem>>) target_semaphore(%run_scoped3A : memref<!tpu.dma_semaphore, #tpu.memory_space<semaphore_mem>>)
      %dma_wait3A = arith.constant 0 : i32
      %dma_wait3A_181 = tpu.memref_slice %arg3[%add3A_69, %dma_wait3A] : memref<512x100000xf32, #tpu.memory_space<hbm>> -> memref<1x100000xf32, #tpu.memory_space<hbm>>
      %dma_wait3A_182 = tpu.memref_squeeze %dma_wait3A_181 : memref<1x100000xf32, #tpu.memory_space<hbm>> -> memref<100000xf32, #tpu.memory_space<hbm>>
      %dma_wait3A_183 = arith.constant 0 : i32
      %dma_wait3A_184 = tpu.memref_slice %arg3[%add3A_69, %dma_wait3A_183] : memref<512x100000xf32, #tpu.memory_space<hbm>> -> memref<1x100000xf32, #tpu.memory_space<hbm>>
      %dma_wait3A_185 = tpu.memref_squeeze %dma_wait3A_184 : memref<1x100000xf32, #tpu.memory_space<hbm>> -> memref<100000xf32, #tpu.memory_space<hbm>>
      tpu.wait_dma2 semaphore(%run_scoped3A : memref<!tpu.dma_semaphore, #tpu.memory_space<semaphore_mem>>) src(%dma_wait3A_185 : memref<100000xf32, #tpu.memory_space<hbm>>) dst(%arg6 : memref<100000xf32, #tpu.memory_space<vmem>>)
      tpu.yield
    }) : () -> ()
    %scan3A_70 = arith.constant 0 : i32
    %scan3A_71 = arith.constant 0 : i32
    %scan3A_72 = arith.constant 256 : i32
    %scan3A_73 = arith.addi %scan3A_71, %scan3A_72 : i32
    %scan3A_74 = arith.constant 1 : i32
    %scan3A_75 = scf.for %scan3A_176 = %scan3A_71 to %scan3A_73 step %scan3A_74 iter_args(%scan3A_177 = %scan3A_70) -> (i32)  : i32 {
      %mul3A_178 = arith.constant 16 : i32
      %mul3A_179 = arith.muli %scan3A_176, %mul3A_178 : i32
      %get3A = arith.index_cast %mul3A_179 : i32 to index
      %get3A_180 = tpu.vector_load %arg5[%get3A] {strides = array<i32>} : memref<4096xi32, #tpu.memory_space<vmem>>, vector<16xi32>,
      %gather3A = tpu.vector_load_idx %arg6[%get3A_180] : memref<100000xf32, #tpu.memory_space<vmem>>[vector<16xi32>], vector<16xf32>,
      %mul3A_181 = arith.constant 16 : i32
      %mul3A_182 = arith.muli %scan3A_176, %mul3A_181 : i32
      %swap3A = arith.index_cast %mul3A_182 : i32 to index
      %swap3A_183 = tpu.vector_load %arg7[%swap3A] {strides = array<i32>} : memref<4096xf32, #tpu.memory_space<vmem>>, vector<16xf32>,
      tpu.vector_store %arg7[%swap3A], %gather3A {strides = array<i32>} : memref<4096xf32, #tpu.memory_space<vmem>>, vector<16xf32>,
      %scan3A_184 = arith.constant 0 : i32
      scf.yield %scan3A_184 : i32
    }
    %scan3A_76 = arith.constant 256 : i32
    "tpu.region"() ({
      %run_scoped3A = tpu.sem_alloc : memref<!tpu.dma_semaphore, #tpu.memory_space<semaphore_mem>>
      %dma_start3A = arith.constant 0 : i32
      %dma_start3A_176 = tpu.memref_slice %arg4[%add3A_69, %dma_start3A] : memref<512x4096xf32, #tpu.memory_space<hbm>> -> memref<1x4096xf32, #tpu.memory_space<hbm>>
      %dma_start3A_177 = tpu.memref_squeeze %dma_start3A_176 : memref<1x4096xf32, #tpu.memory_space<hbm>> -> memref<4096xf32, #tpu.memory_space<hbm>>
      %dma_start3A_178 = arith.constant 0 : i32
      %dma_start3A_179 = tpu.memref_slice %arg4[%add3A_69, %dma_start3A_178] : memref<512x4096xf32, #tpu.memory_space<hbm>> -> memref<1x4096xf32, #tpu.memory_space<hbm>>
      %dma_start3A_180 = tpu.memref_squeeze %dma_start3A_179 : memref<1x4096xf32, #tpu.memory_space<hbm>> -> memref<4096xf32, #tpu.memory_space<hbm>>
      tpu.enqueue_dma source(%arg7 : memref<4096xf32, #tpu.memory_space<vmem>>) target(%dma_start3A_180 : memref<4096xf32, #tpu.memory_space<hbm>>) target_semaphore(%run_scoped3A : memref<!tpu.dma_semaphore, #tpu.memory_space<semaphore_mem>>)
      %dma_wait3A = arith.constant 0 : i32
      %dma_wait3A_181 = tpu.memref_slice %arg4[%add3A_69, %dma_wait3A] : memref<512x4096xf32, #tpu.memory_space<hbm>> -> memref<1x4096xf32, #tpu.memory_space<hbm>>
      %dma_wait3A_182 = tpu.memref_squeeze %dma_wait3A_181 : memref<1x4096xf32, #tpu.memory_space<hbm>> -> memref<4096xf32, #tpu.memory_space<hbm>>
      %dma_wait3A_183 = arith.constant 0 : i32
      %dma_wait3A_184 = tpu.memref_slice %arg4[%add3A_69, %dma_wait3A_183] : memref<512x4096xf32, #tpu.memory_space<hbm>> -> memref<1x4096xf32, #tpu.memory_space<hbm>>
      %dma_wait3A_185 = tpu.memref_squeeze %dma_wait3A_184 : memref<1x4096xf32, #tpu.memory_space<hbm>> -> memref<4096xf32, #tpu.memory_space<hbm>>
      tpu.wait_dma2 semaphore(%run_scoped3A : memref<!tpu.dma_semaphore, #tpu.memory_space<semaphore_mem>>) src(%arg7 : memref<4096xf32, #tpu.memory_space<vmem>>) dst(%dma_wait3A_185 : memref<4096xf32, #tpu.memory_space<hbm>>)
      tpu.yield
    }) : () -> ()
    %mul3A_77 = arith.constant 16 : i32
    %mul3A_78 = arith.muli %add3A, %mul3A_77 : i32
    %add3A_79 = arith.constant 7 : i32
    %add3A_80 = arith.addi %mul3A_78, %add3A_79 : i32
    "tpu.region"() ({
      %run_scoped3A = tpu.sem_alloc : memref<!tpu.dma_semaphore, #tpu.memory_space<semaphore_mem>>
      %dma_start3A = arith.constant 0 : i32
      %dma_start3A_176 = tpu.memref_slice %arg3[%add3A_80, %dma_start3A] : memref<512x100000xf32, #tpu.memory_space<hbm>> -> memref<1x100000xf32, #tpu.memory_space<hbm>>
      %dma_start3A_177 = tpu.memref_squeeze %dma_start3A_176 : memref<1x100000xf32, #tpu.memory_space<hbm>> -> memref<100000xf32, #tpu.memory_space<hbm>>
      %dma_start3A_178 = arith.constant 0 : i32
      %dma_start3A_179 = tpu.memref_slice %arg3[%add3A_80, %dma_start3A_178] : memref<512x100000xf32, #tpu.memory_space<hbm>> -> memref<1x100000xf32, #tpu.memory_space<hbm>>
      %dma_start3A_180 = tpu.memref_squeeze %dma_start3A_179 : memref<1x100000xf32, #tpu.memory_space<hbm>> -> memref<100000xf32, #tpu.memory_space<hbm>>
      tpu.enqueue_dma source(%dma_start3A_180 : memref<100000xf32, #tpu.memory_space<hbm>>) target(%arg6 : memref<100000xf32, #tpu.memory_space<vmem>>) target_semaphore(%run_scoped3A : memref<!tpu.dma_semaphore, #tpu.memory_space<semaphore_mem>>)
      %dma_wait3A = arith.constant 0 : i32
      %dma_wait3A_181 = tpu.memref_slice %arg3[%add3A_80, %dma_wait3A] : memref<512x100000xf32, #tpu.memory_space<hbm>> -> memref<1x100000xf32, #tpu.memory_space<hbm>>
      %dma_wait3A_182 = tpu.memref_squeeze %dma_wait3A_181 : memref<1x100000xf32, #tpu.memory_space<hbm>> -> memref<100000xf32, #tpu.memory_space<hbm>>
      %dma_wait3A_183 = arith.constant 0 : i32
      %dma_wait3A_184 = tpu.memref_slice %arg3[%add3A_80, %dma_wait3A_183] : memref<512x100000xf32, #tpu.memory_space<hbm>> -> memref<1x100000xf32, #tpu.memory_space<hbm>>
      %dma_wait3A_185 = tpu.memref_squeeze %dma_wait3A_184 : memref<1x100000xf32, #tpu.memory_space<hbm>> -> memref<100000xf32, #tpu.memory_space<hbm>>
      tpu.wait_dma2 semaphore(%run_scoped3A : memref<!tpu.dma_semaphore, #tpu.memory_space<semaphore_mem>>) src(%dma_wait3A_185 : memref<100000xf32, #tpu.memory_space<hbm>>) dst(%arg6 : memref<100000xf32, #tpu.memory_space<vmem>>)
      tpu.yield
    }) : () -> ()
    %scan3A_81 = arith.constant 0 : i32
    %scan3A_82 = arith.constant 0 : i32
    %scan3A_83 = arith.constant 256 : i32
    %scan3A_84 = arith.addi %scan3A_82, %scan3A_83 : i32
    %scan3A_85 = arith.constant 1 : i32
    %scan3A_86 = scf.for %scan3A_176 = %scan3A_82 to %scan3A_84 step %scan3A_85 iter_args(%scan3A_177 = %scan3A_81) -> (i32)  : i32 {
      %mul3A_178 = arith.constant 16 : i32
      %mul3A_179 = arith.muli %scan3A_176, %mul3A_178 : i32
      %get3A = arith.index_cast %mul3A_179 : i32 to index
      %get3A_180 = tpu.vector_load %arg5[%get3A] {strides = array<i32>} : memref<4096xi32, #tpu.memory_space<vmem>>, vector<16xi32>,
      %gather3A = tpu.vector_load_idx %arg6[%get3A_180] : memref<100000xf32, #tpu.memory_space<vmem>>[vector<16xi32>], vector<16xf32>,
      %mul3A_181 = arith.constant 16 : i32
      %mul3A_182 = arith.muli %scan3A_176, %mul3A_181 : i32
      %swap3A = arith.index_cast %mul3A_182 : i32 to index
      %swap3A_183 = tpu.vector_load %arg7[%swap3A] {strides = array<i32>} : memref<4096xf32, #tpu.memory_space<vmem>>, vector<16xf32>,
      tpu.vector_store %arg7[%swap3A], %gather3A {strides = array<i32>} : memref<4096xf32, #tpu.memory_space<vmem>>, vector<16xf32>,
      %scan3A_184 = arith.constant 0 : i32
      scf.yield %scan3A_184 : i32
    }
    %scan3A_87 = arith.constant 256 : i32
    "tpu.region"() ({
      %run_scoped3A = tpu.sem_alloc : memref<!tpu.dma_semaphore, #tpu.memory_space<semaphore_mem>>
      %dma_start3A = arith.constant 0 : i32
      %dma_start3A_176 = tpu.memref_slice %arg4[%add3A_80, %dma_start3A] : memref<512x4096xf32, #tpu.memory_space<hbm>> -> memref<1x4096xf32, #tpu.memory_space<hbm>>
      %dma_start3A_177 = tpu.memref_squeeze %dma_start3A_176 : memref<1x4096xf32, #tpu.memory_space<hbm>> -> memref<4096xf32, #tpu.memory_space<hbm>>
      %dma_start3A_178 = arith.constant 0 : i32
      %dma_start3A_179 = tpu.memref_slice %arg4[%add3A_80, %dma_start3A_178] : memref<512x4096xf32, #tpu.memory_space<hbm>> -> memref<1x4096xf32, #tpu.memory_space<hbm>>
      %dma_start3A_180 = tpu.memref_squeeze %dma_start3A_179 : memref<1x4096xf32, #tpu.memory_space<hbm>> -> memref<4096xf32, #tpu.memory_space<hbm>>
      tpu.enqueue_dma source(%arg7 : memref<4096xf32, #tpu.memory_space<vmem>>) target(%dma_start3A_180 : memref<4096xf32, #tpu.memory_space<hbm>>) target_semaphore(%run_scoped3A : memref<!tpu.dma_semaphore, #tpu.memory_space<semaphore_mem>>)
      %dma_wait3A = arith.constant 0 : i32
      %dma_wait3A_181 = tpu.memref_slice %arg4[%add3A_80, %dma_wait3A] : memref<512x4096xf32, #tpu.memory_space<hbm>> -> memref<1x4096xf32, #tpu.memory_space<hbm>>
      %dma_wait3A_182 = tpu.memref_squeeze %dma_wait3A_181 : memref<1x4096xf32, #tpu.memory_space<hbm>> -> memref<4096xf32, #tpu.memory_space<hbm>>
      %dma_wait3A_183 = arith.constant 0 : i32
      %dma_wait3A_184 = tpu.memref_slice %arg4[%add3A_80, %dma_wait3A_183] : memref<512x4096xf32, #tpu.memory_space<hbm>> -> memref<1x4096xf32, #tpu.memory_space<hbm>>
      %dma_wait3A_185 = tpu.memref_squeeze %dma_wait3A_184 : memref<1x4096xf32, #tpu.memory_space<hbm>> -> memref<4096xf32, #tpu.memory_space<hbm>>
      tpu.wait_dma2 semaphore(%run_scoped3A : memref<!tpu.dma_semaphore, #tpu.memory_space<semaphore_mem>>) src(%arg7 : memref<4096xf32, #tpu.memory_space<vmem>>) dst(%dma_wait3A_185 : memref<4096xf32, #tpu.memory_space<hbm>>)
      tpu.yield
    }) : () -> ()
    %mul3A_88 = arith.constant 16 : i32
    %mul3A_89 = arith.muli %add3A, %mul3A_88 : i32
    %add3A_90 = arith.constant 8 : i32
    %add3A_91 = arith.addi %mul3A_89, %add3A_90 : i32
    "tpu.region"() ({
      %run_scoped3A = tpu.sem_alloc : memref<!tpu.dma_semaphore, #tpu.memory_space<semaphore_mem>>
      %dma_start3A = arith.constant 0 : i32
      %dma_start3A_176 = tpu.memref_slice %arg3[%add3A_91, %dma_start3A] : memref<512x100000xf32, #tpu.memory_space<hbm>> -> memref<1x100000xf32, #tpu.memory_space<hbm>>
      %dma_start3A_177 = tpu.memref_squeeze %dma_start3A_176 : memref<1x100000xf32, #tpu.memory_space<hbm>> -> memref<100000xf32, #tpu.memory_space<hbm>>
      %dma_start3A_178 = arith.constant 0 : i32
      %dma_start3A_179 = tpu.memref_slice %arg3[%add3A_91, %dma_start3A_178] : memref<512x100000xf32, #tpu.memory_space<hbm>> -> memref<1x100000xf32, #tpu.memory_space<hbm>>
      %dma_start3A_180 = tpu.memref_squeeze %dma_start3A_179 : memref<1x100000xf32, #tpu.memory_space<hbm>> -> memref<100000xf32, #tpu.memory_space<hbm>>
      tpu.enqueue_dma source(%dma_start3A_180 : memref<100000xf32, #tpu.memory_space<hbm>>) target(%arg6 : memref<100000xf32, #tpu.memory_space<vmem>>) target_semaphore(%run_scoped3A : memref<!tpu.dma_semaphore, #tpu.memory_space<semaphore_mem>>)
      %dma_wait3A = arith.constant 0 : i32
      %dma_wait3A_181 = tpu.memref_slice %arg3[%add3A_91, %dma_wait3A] : memref<512x100000xf32, #tpu.memory_space<hbm>> -> memref<1x100000xf32, #tpu.memory_space<hbm>>
      %dma_wait3A_182 = tpu.memref_squeeze %dma_wait3A_181 : memref<1x100000xf32, #tpu.memory_space<hbm>> -> memref<100000xf32, #tpu.memory_space<hbm>>
      %dma_wait3A_183 = arith.constant 0 : i32
      %dma_wait3A_184 = tpu.memref_slice %arg3[%add3A_91, %dma_wait3A_183] : memref<512x100000xf32, #tpu.memory_space<hbm>> -> memref<1x100000xf32, #tpu.memory_space<hbm>>
      %dma_wait3A_185 = tpu.memref_squeeze %dma_wait3A_184 : memref<1x100000xf32, #tpu.memory_space<hbm>> -> memref<100000xf32, #tpu.memory_space<hbm>>
      tpu.wait_dma2 semaphore(%run_scoped3A : memref<!tpu.dma_semaphore, #tpu.memory_space<semaphore_mem>>) src(%dma_wait3A_185 : memref<100000xf32, #tpu.memory_space<hbm>>) dst(%arg6 : memref<100000xf32, #tpu.memory_space<vmem>>)
      tpu.yield
    }) : () -> ()
    %scan3A_92 = arith.constant 0 : i32
    %scan3A_93 = arith.constant 0 : i32
    %scan3A_94 = arith.constant 256 : i32
    %scan3A_95 = arith.addi %scan3A_93, %scan3A_94 : i32
    %scan3A_96 = arith.constant 1 : i32
    %scan3A_97 = scf.for %scan3A_176 = %scan3A_93 to %scan3A_95 step %scan3A_96 iter_args(%scan3A_177 = %scan3A_92) -> (i32)  : i32 {
      %mul3A_178 = arith.constant 16 : i32
      %mul3A_179 = arith.muli %scan3A_176, %mul3A_178 : i32
      %get3A = arith.index_cast %mul3A_179 : i32 to index
      %get3A_180 = tpu.vector_load %arg5[%get3A] {strides = array<i32>} : memref<4096xi32, #tpu.memory_space<vmem>>, vector<16xi32>,
      %gather3A = tpu.vector_load_idx %arg6[%get3A_180] : memref<100000xf32, #tpu.memory_space<vmem>>[vector<16xi32>], vector<16xf32>,
      %mul3A_181 = arith.constant 16 : i32
      %mul3A_182 = arith.muli %scan3A_176, %mul3A_181 : i32
      %swap3A = arith.index_cast %mul3A_182 : i32 to index
      %swap3A_183 = tpu.vector_load %arg7[%swap3A] {strides = array<i32>} : memref<4096xf32, #tpu.memory_space<vmem>>, vector<16xf32>,
      tpu.vector_store %arg7[%swap3A], %gather3A {strides = array<i32>} : memref<4096xf32, #tpu.memory_space<vmem>>, vector<16xf32>,
      %scan3A_184 = arith.constant 0 : i32
      scf.yield %scan3A_184 : i32
    }
    %scan3A_98 = arith.constant 256 : i32
    "tpu.region"() ({
      %run_scoped3A = tpu.sem_alloc : memref<!tpu.dma_semaphore, #tpu.memory_space<semaphore_mem>>
      %dma_start3A = arith.constant 0 : i32
      %dma_start3A_176 = tpu.memref_slice %arg4[%add3A_91, %dma_start3A] : memref<512x4096xf32, #tpu.memory_space<hbm>> -> memref<1x4096xf32, #tpu.memory_space<hbm>>
      %dma_start3A_177 = tpu.memref_squeeze %dma_start3A_176 : memref<1x4096xf32, #tpu.memory_space<hbm>> -> memref<4096xf32, #tpu.memory_space<hbm>>
      %dma_start3A_178 = arith.constant 0 : i32
      %dma_start3A_179 = tpu.memref_slice %arg4[%add3A_91, %dma_start3A_178] : memref<512x4096xf32, #tpu.memory_space<hbm>> -> memref<1x4096xf32, #tpu.memory_space<hbm>>
      %dma_start3A_180 = tpu.memref_squeeze %dma_start3A_179 : memref<1x4096xf32, #tpu.memory_space<hbm>> -> memref<4096xf32, #tpu.memory_space<hbm>>
      tpu.enqueue_dma source(%arg7 : memref<4096xf32, #tpu.memory_space<vmem>>) target(%dma_start3A_180 : memref<4096xf32, #tpu.memory_space<hbm>>) target_semaphore(%run_scoped3A : memref<!tpu.dma_semaphore, #tpu.memory_space<semaphore_mem>>)
      %dma_wait3A = arith.constant 0 : i32
      %dma_wait3A_181 = tpu.memref_slice %arg4[%add3A_91, %dma_wait3A] : memref<512x4096xf32, #tpu.memory_space<hbm>> -> memref<1x4096xf32, #tpu.memory_space<hbm>>
      %dma_wait3A_182 = tpu.memref_squeeze %dma_wait3A_181 : memref<1x4096xf32, #tpu.memory_space<hbm>> -> memref<4096xf32, #tpu.memory_space<hbm>>
      %dma_wait3A_183 = arith.constant 0 : i32
      %dma_wait3A_184 = tpu.memref_slice %arg4[%add3A_91, %dma_wait3A_183] : memref<512x4096xf32, #tpu.memory_space<hbm>> -> memref<1x4096xf32, #tpu.memory_space<hbm>>
      %dma_wait3A_185 = tpu.memref_squeeze %dma_wait3A_184 : memref<1x4096xf32, #tpu.memory_space<hbm>> -> memref<4096xf32, #tpu.memory_space<hbm>>
      tpu.wait_dma2 semaphore(%run_scoped3A : memref<!tpu.dma_semaphore, #tpu.memory_space<semaphore_mem>>) src(%arg7 : memref<4096xf32, #tpu.memory_space<vmem>>) dst(%dma_wait3A_185 : memref<4096xf32, #tpu.memory_space<hbm>>)
      tpu.yield
    }) : () -> ()
    %mul3A_99 = arith.constant 16 : i32
    %mul3A_100 = arith.muli %add3A, %mul3A_99 : i32
    %add3A_101 = arith.constant 9 : i32
    %add3A_102 = arith.addi %mul3A_100, %add3A_101 : i32
    "tpu.region"() ({
      %run_scoped3A = tpu.sem_alloc : memref<!tpu.dma_semaphore, #tpu.memory_space<semaphore_mem>>
      %dma_start3A = arith.constant 0 : i32
      %dma_start3A_176 = tpu.memref_slice %arg3[%add3A_102, %dma_start3A] : memref<512x100000xf32, #tpu.memory_space<hbm>> -> memref<1x100000xf32, #tpu.memory_space<hbm>>
      %dma_start3A_177 = tpu.memref_squeeze %dma_start3A_176 : memref<1x100000xf32, #tpu.memory_space<hbm>> -> memref<100000xf32, #tpu.memory_space<hbm>>
      %dma_start3A_178 = arith.constant 0 : i32
      %dma_start3A_179 = tpu.memref_slice %arg3[%add3A_102, %dma_start3A_178] : memref<512x100000xf32, #tpu.memory_space<hbm>> -> memref<1x100000xf32, #tpu.memory_space<hbm>>
      %dma_start3A_180 = tpu.memref_squeeze %dma_start3A_179 : memref<1x100000xf32, #tpu.memory_space<hbm>> -> memref<100000xf32, #tpu.memory_space<hbm>>
      tpu.enqueue_dma source(%dma_start3A_180 : memref<100000xf32, #tpu.memory_space<hbm>>) target(%arg6 : memref<100000xf32, #tpu.memory_space<vmem>>) target_semaphore(%run_scoped3A : memref<!tpu.dma_semaphore, #tpu.memory_space<semaphore_mem>>)
      %dma_wait3A = arith.constant 0 : i32
      %dma_wait3A_181 = tpu.memref_slice %arg3[%add3A_102, %dma_wait3A] : memref<512x100000xf32, #tpu.memory_space<hbm>> -> memref<1x100000xf32, #tpu.memory_space<hbm>>
      %dma_wait3A_182 = tpu.memref_squeeze %dma_wait3A_181 : memref<1x100000xf32, #tpu.memory_space<hbm>> -> memref<100000xf32, #tpu.memory_space<hbm>>
      %dma_wait3A_183 = arith.constant 0 : i32
      %dma_wait3A_184 = tpu.memref_slice %arg3[%add3A_102, %dma_wait3A_183] : memref<512x100000xf32, #tpu.memory_space<hbm>> -> memref<1x100000xf32, #tpu.memory_space<hbm>>
      %dma_wait3A_185 = tpu.memref_squeeze %dma_wait3A_184 : memref<1x100000xf32, #tpu.memory_space<hbm>> -> memref<100000xf32, #tpu.memory_space<hbm>>
      tpu.wait_dma2 semaphore(%run_scoped3A : memref<!tpu.dma_semaphore, #tpu.memory_space<semaphore_mem>>) src(%dma_wait3A_185 : memref<100000xf32, #tpu.memory_space<hbm>>) dst(%arg6 : memref<100000xf32, #tpu.memory_space<vmem>>)
      tpu.yield
    }) : () -> ()
    %scan3A_103 = arith.constant 0 : i32
    %scan3A_104 = arith.constant 0 : i32
    %scan3A_105 = arith.constant 256 : i32
    %scan3A_106 = arith.addi %scan3A_104, %scan3A_105 : i32
    %scan3A_107 = arith.constant 1 : i32
    %scan3A_108 = scf.for %scan3A_176 = %scan3A_104 to %scan3A_106 step %scan3A_107 iter_args(%scan3A_177 = %scan3A_103) -> (i32)  : i32 {
      %mul3A_178 = arith.constant 16 : i32
      %mul3A_179 = arith.muli %scan3A_176, %mul3A_178 : i32
      %get3A = arith.index_cast %mul3A_179 : i32 to index
      %get3A_180 = tpu.vector_load %arg5[%get3A] {strides = array<i32>} : memref<4096xi32, #tpu.memory_space<vmem>>, vector<16xi32>,
      %gather3A = tpu.vector_load_idx %arg6[%get3A_180] : memref<100000xf32, #tpu.memory_space<vmem>>[vector<16xi32>], vector<16xf32>,
      %mul3A_181 = arith.constant 16 : i32
      %mul3A_182 = arith.muli %scan3A_176, %mul3A_181 : i32
      %swap3A = arith.index_cast %mul3A_182 : i32 to index
      %swap3A_183 = tpu.vector_load %arg7[%swap3A] {strides = array<i32>} : memref<4096xf32, #tpu.memory_space<vmem>>, vector<16xf32>,
      tpu.vector_store %arg7[%swap3A], %gather3A {strides = array<i32>} : memref<4096xf32, #tpu.memory_space<vmem>>, vector<16xf32>,
      %scan3A_184 = arith.constant 0 : i32
      scf.yield %scan3A_184 : i32
    }
    %scan3A_109 = arith.constant 256 : i32
    "tpu.region"() ({
      %run_scoped3A = tpu.sem_alloc : memref<!tpu.dma_semaphore, #tpu.memory_space<semaphore_mem>>
      %dma_start3A = arith.constant 0 : i32
      %dma_start3A_176 = tpu.memref_slice %arg4[%add3A_102, %dma_start3A] : memref<512x4096xf32, #tpu.memory_space<hbm>> -> memref<1x4096xf32, #tpu.memory_space<hbm>>
      %dma_start3A_177 = tpu.memref_squeeze %dma_start3A_176 : memref<1x4096xf32, #tpu.memory_space<hbm>> -> memref<4096xf32, #tpu.memory_space<hbm>>
      %dma_start3A_178 = arith.constant 0 : i32
      %dma_start3A_179 = tpu.memref_slice %arg4[%add3A_102, %dma_start3A_178] : memref<512x4096xf32, #tpu.memory_space<hbm>> -> memref<1x4096xf32, #tpu.memory_space<hbm>>
      %dma_start3A_180 = tpu.memref_squeeze %dma_start3A_179 : memref<1x4096xf32, #tpu.memory_space<hbm>> -> memref<4096xf32, #tpu.memory_space<hbm>>
      tpu.enqueue_dma source(%arg7 : memref<4096xf32, #tpu.memory_space<vmem>>) target(%dma_start3A_180 : memref<4096xf32, #tpu.memory_space<hbm>>) target_semaphore(%run_scoped3A : memref<!tpu.dma_semaphore, #tpu.memory_space<semaphore_mem>>)
      %dma_wait3A = arith.constant 0 : i32
      %dma_wait3A_181 = tpu.memref_slice %arg4[%add3A_102, %dma_wait3A] : memref<512x4096xf32, #tpu.memory_space<hbm>> -> memref<1x4096xf32, #tpu.memory_space<hbm>>
      %dma_wait3A_182 = tpu.memref_squeeze %dma_wait3A_181 : memref<1x4096xf32, #tpu.memory_space<hbm>> -> memref<4096xf32, #tpu.memory_space<hbm>>
      %dma_wait3A_183 = arith.constant 0 : i32
      %dma_wait3A_184 = tpu.memref_slice %arg4[%add3A_102, %dma_wait3A_183] : memref<512x4096xf32, #tpu.memory_space<hbm>> -> memref<1x4096xf32, #tpu.memory_space<hbm>>
      %dma_wait3A_185 = tpu.memref_squeeze %dma_wait3A_184 : memref<1x4096xf32, #tpu.memory_space<hbm>> -> memref<4096xf32, #tpu.memory_space<hbm>>
      tpu.wait_dma2 semaphore(%run_scoped3A : memref<!tpu.dma_semaphore, #tpu.memory_space<semaphore_mem>>) src(%arg7 : memref<4096xf32, #tpu.memory_space<vmem>>) dst(%dma_wait3A_185 : memref<4096xf32, #tpu.memory_space<hbm>>)
      tpu.yield
    }) : () -> ()
    %mul3A_110 = arith.constant 16 : i32
    %mul3A_111 = arith.muli %add3A, %mul3A_110 : i32
    %add3A_112 = arith.constant 10 : i32
    %add3A_113 = arith.addi %mul3A_111, %add3A_112 : i32
    "tpu.region"() ({
      %run_scoped3A = tpu.sem_alloc : memref<!tpu.dma_semaphore, #tpu.memory_space<semaphore_mem>>
      %dma_start3A = arith.constant 0 : i32
      %dma_start3A_176 = tpu.memref_slice %arg3[%add3A_113, %dma_start3A] : memref<512x100000xf32, #tpu.memory_space<hbm>> -> memref<1x100000xf32, #tpu.memory_space<hbm>>
      %dma_start3A_177 = tpu.memref_squeeze %dma_start3A_176 : memref<1x100000xf32, #tpu.memory_space<hbm>> -> memref<100000xf32, #tpu.memory_space<hbm>>
      %dma_start3A_178 = arith.constant 0 : i32
      %dma_start3A_179 = tpu.memref_slice %arg3[%add3A_113, %dma_start3A_178] : memref<512x100000xf32, #tpu.memory_space<hbm>> -> memref<1x100000xf32, #tpu.memory_space<hbm>>
      %dma_start3A_180 = tpu.memref_squeeze %dma_start3A_179 : memref<1x100000xf32, #tpu.memory_space<hbm>> -> memref<100000xf32, #tpu.memory_space<hbm>>
      tpu.enqueue_dma source(%dma_start3A_180 : memref<100000xf32, #tpu.memory_space<hbm>>) target(%arg6 : memref<100000xf32, #tpu.memory_space<vmem>>) target_semaphore(%run_scoped3A : memref<!tpu.dma_semaphore, #tpu.memory_space<semaphore_mem>>)
      %dma_wait3A = arith.constant 0 : i32
      %dma_wait3A_181 = tpu.memref_slice %arg3[%add3A_113, %dma_wait3A] : memref<512x100000xf32, #tpu.memory_space<hbm>> -> memref<1x100000xf32, #tpu.memory_space<hbm>>
      %dma_wait3A_182 = tpu.memref_squeeze %dma_wait3A_181 : memref<1x100000xf32, #tpu.memory_space<hbm>> -> memref<100000xf32, #tpu.memory_space<hbm>>
      %dma_wait3A_183 = arith.constant 0 : i32
      %dma_wait3A_184 = tpu.memref_slice %arg3[%add3A_113, %dma_wait3A_183] : memref<512x100000xf32, #tpu.memory_space<hbm>> -> memref<1x100000xf32, #tpu.memory_space<hbm>>
      %dma_wait3A_185 = tpu.memref_squeeze %dma_wait3A_184 : memref<1x100000xf32, #tpu.memory_space<hbm>> -> memref<100000xf32, #tpu.memory_space<hbm>>
      tpu.wait_dma2 semaphore(%run_scoped3A : memref<!tpu.dma_semaphore, #tpu.memory_space<semaphore_mem>>) src(%dma_wait3A_185 : memref<100000xf32, #tpu.memory_space<hbm>>) dst(%arg6 : memref<100000xf32, #tpu.memory_space<vmem>>)
      tpu.yield
    }) : () -> ()
    %scan3A_114 = arith.constant 0 : i32
    %scan3A_115 = arith.constant 0 : i32
    %scan3A_116 = arith.constant 256 : i32
    %scan3A_117 = arith.addi %scan3A_115, %scan3A_116 : i32
    %scan3A_118 = arith.constant 1 : i32
    %scan3A_119 = scf.for %scan3A_176 = %scan3A_115 to %scan3A_117 step %scan3A_118 iter_args(%scan3A_177 = %scan3A_114) -> (i32)  : i32 {
      %mul3A_178 = arith.constant 16 : i32
      %mul3A_179 = arith.muli %scan3A_176, %mul3A_178 : i32
      %get3A = arith.index_cast %mul3A_179 : i32 to index
      %get3A_180 = tpu.vector_load %arg5[%get3A] {strides = array<i32>} : memref<4096xi32, #tpu.memory_space<vmem>>, vector<16xi32>,
      %gather3A = tpu.vector_load_idx %arg6[%get3A_180] : memref<100000xf32, #tpu.memory_space<vmem>>[vector<16xi32>], vector<16xf32>,
      %mul3A_181 = arith.constant 16 : i32
      %mul3A_182 = arith.muli %scan3A_176, %mul3A_181 : i32
      %swap3A = arith.index_cast %mul3A_182 : i32 to index
      %swap3A_183 = tpu.vector_load %arg7[%swap3A] {strides = array<i32>} : memref<4096xf32, #tpu.memory_space<vmem>>, vector<16xf32>,
      tpu.vector_store %arg7[%swap3A], %gather3A {strides = array<i32>} : memref<4096xf32, #tpu.memory_space<vmem>>, vector<16xf32>,
      %scan3A_184 = arith.constant 0 : i32
      scf.yield %scan3A_184 : i32
    }
    %scan3A_120 = arith.constant 256 : i32
    "tpu.region"() ({
      %run_scoped3A = tpu.sem_alloc : memref<!tpu.dma_semaphore, #tpu.memory_space<semaphore_mem>>
      %dma_start3A = arith.constant 0 : i32
      %dma_start3A_176 = tpu.memref_slice %arg4[%add3A_113, %dma_start3A] : memref<512x4096xf32, #tpu.memory_space<hbm>> -> memref<1x4096xf32, #tpu.memory_space<hbm>>
      %dma_start3A_177 = tpu.memref_squeeze %dma_start3A_176 : memref<1x4096xf32, #tpu.memory_space<hbm>> -> memref<4096xf32, #tpu.memory_space<hbm>>
      %dma_start3A_178 = arith.constant 0 : i32
      %dma_start3A_179 = tpu.memref_slice %arg4[%add3A_113, %dma_start3A_178] : memref<512x4096xf32, #tpu.memory_space<hbm>> -> memref<1x4096xf32, #tpu.memory_space<hbm>>
      %dma_start3A_180 = tpu.memref_squeeze %dma_start3A_179 : memref<1x4096xf32, #tpu.memory_space<hbm>> -> memref<4096xf32, #tpu.memory_space<hbm>>
      tpu.enqueue_dma source(%arg7 : memref<4096xf32, #tpu.memory_space<vmem>>) target(%dma_start3A_180 : memref<4096xf32, #tpu.memory_space<hbm>>) target_semaphore(%run_scoped3A : memref<!tpu.dma_semaphore, #tpu.memory_space<semaphore_mem>>)
      %dma_wait3A = arith.constant 0 : i32
      %dma_wait3A_181 = tpu.memref_slice %arg4[%add3A_113, %dma_wait3A] : memref<512x4096xf32, #tpu.memory_space<hbm>> -> memref<1x4096xf32, #tpu.memory_space<hbm>>
      %dma_wait3A_182 = tpu.memref_squeeze %dma_wait3A_181 : memref<1x4096xf32, #tpu.memory_space<hbm>> -> memref<4096xf32, #tpu.memory_space<hbm>>
      %dma_wait3A_183 = arith.constant 0 : i32
      %dma_wait3A_184 = tpu.memref_slice %arg4[%add3A_113, %dma_wait3A_183] : memref<512x4096xf32, #tpu.memory_space<hbm>> -> memref<1x4096xf32, #tpu.memory_space<hbm>>
      %dma_wait3A_185 = tpu.memref_squeeze %dma_wait3A_184 : memref<1x4096xf32, #tpu.memory_space<hbm>> -> memref<4096xf32, #tpu.memory_space<hbm>>
      tpu.wait_dma2 semaphore(%run_scoped3A : memref<!tpu.dma_semaphore, #tpu.memory_space<semaphore_mem>>) src(%arg7 : memref<4096xf32, #tpu.memory_space<vmem>>) dst(%dma_wait3A_185 : memref<4096xf32, #tpu.memory_space<hbm>>)
      tpu.yield
    }) : () -> ()
    %mul3A_121 = arith.constant 16 : i32
    %mul3A_122 = arith.muli %add3A, %mul3A_121 : i32
    %add3A_123 = arith.constant 11 : i32
    %add3A_124 = arith.addi %mul3A_122, %add3A_123 : i32
    "tpu.region"() ({
      %run_scoped3A = tpu.sem_alloc : memref<!tpu.dma_semaphore, #tpu.memory_space<semaphore_mem>>
      %dma_start3A = arith.constant 0 : i32
      %dma_start3A_176 = tpu.memref_slice %arg3[%add3A_124, %dma_start3A] : memref<512x100000xf32, #tpu.memory_space<hbm>> -> memref<1x100000xf32, #tpu.memory_space<hbm>>
      %dma_start3A_177 = tpu.memref_squeeze %dma_start3A_176 : memref<1x100000xf32, #tpu.memory_space<hbm>> -> memref<100000xf32, #tpu.memory_space<hbm>>
      %dma_start3A_178 = arith.constant 0 : i32
      %dma_start3A_179 = tpu.memref_slice %arg3[%add3A_124, %dma_start3A_178] : memref<512x100000xf32, #tpu.memory_space<hbm>> -> memref<1x100000xf32, #tpu.memory_space<hbm>>
      %dma_start3A_180 = tpu.memref_squeeze %dma_start3A_179 : memref<1x100000xf32, #tpu.memory_space<hbm>> -> memref<100000xf32, #tpu.memory_space<hbm>>
      tpu.enqueue_dma source(%dma_start3A_180 : memref<100000xf32, #tpu.memory_space<hbm>>) target(%arg6 : memref<100000xf32, #tpu.memory_space<vmem>>) target_semaphore(%run_scoped3A : memref<!tpu.dma_semaphore, #tpu.memory_space<semaphore_mem>>)
      %dma_wait3A = arith.constant 0 : i32
      %dma_wait3A_181 = tpu.memref_slice %arg3[%add3A_124, %dma_wait3A] : memref<512x100000xf32, #tpu.memory_space<hbm>> -> memref<1x100000xf32, #tpu.memory_space<hbm>>
      %dma_wait3A_182 = tpu.memref_squeeze %dma_wait3A_181 : memref<1x100000xf32, #tpu.memory_space<hbm>> -> memref<100000xf32, #tpu.memory_space<hbm>>
      %dma_wait3A_183 = arith.constant 0 : i32
      %dma_wait3A_184 = tpu.memref_slice %arg3[%add3A_124, %dma_wait3A_183] : memref<512x100000xf32, #tpu.memory_space<hbm>> -> memref<1x100000xf32, #tpu.memory_space<hbm>>
      %dma_wait3A_185 = tpu.memref_squeeze %dma_wait3A_184 : memref<1x100000xf32, #tpu.memory_space<hbm>> -> memref<100000xf32, #tpu.memory_space<hbm>>
      tpu.wait_dma2 semaphore(%run_scoped3A : memref<!tpu.dma_semaphore, #tpu.memory_space<semaphore_mem>>) src(%dma_wait3A_185 : memref<100000xf32, #tpu.memory_space<hbm>>) dst(%arg6 : memref<100000xf32, #tpu.memory_space<vmem>>)
      tpu.yield
    }) : () -> ()
    %scan3A_125 = arith.constant 0 : i32
    %scan3A_126 = arith.constant 0 : i32
    %scan3A_127 = arith.constant 256 : i32
    %scan3A_128 = arith.addi %scan3A_126, %scan3A_127 : i32
    %scan3A_129 = arith.constant 1 : i32
    %scan3A_130 = scf.for %scan3A_176 = %scan3A_126 to %scan3A_128 step %scan3A_129 iter_args(%scan3A_177 = %scan3A_125) -> (i32)  : i32 {
      %mul3A_178 = arith.constant 16 : i32
      %mul3A_179 = arith.muli %scan3A_176, %mul3A_178 : i32
      %get3A = arith.index_cast %mul3A_179 : i32 to index
      %get3A_180 = tpu.vector_load %arg5[%get3A] {strides = array<i32>} : memref<4096xi32, #tpu.memory_space<vmem>>, vector<16xi32>,
      %gather3A = tpu.vector_load_idx %arg6[%get3A_180] : memref<100000xf32, #tpu.memory_space<vmem>>[vector<16xi32>], vector<16xf32>,
      %mul3A_181 = arith.constant 16 : i32
      %mul3A_182 = arith.muli %scan3A_176, %mul3A_181 : i32
      %swap3A = arith.index_cast %mul3A_182 : i32 to index
      %swap3A_183 = tpu.vector_load %arg7[%swap3A] {strides = array<i32>} : memref<4096xf32, #tpu.memory_space<vmem>>, vector<16xf32>,
      tpu.vector_store %arg7[%swap3A], %gather3A {strides = array<i32>} : memref<4096xf32, #tpu.memory_space<vmem>>, vector<16xf32>,
      %scan3A_184 = arith.constant 0 : i32
      scf.yield %scan3A_184 : i32
    }
    %scan3A_131 = arith.constant 256 : i32
    "tpu.region"() ({
      %run_scoped3A = tpu.sem_alloc : memref<!tpu.dma_semaphore, #tpu.memory_space<semaphore_mem>>
      %dma_start3A = arith.constant 0 : i32
      %dma_start3A_176 = tpu.memref_slice %arg4[%add3A_124, %dma_start3A] : memref<512x4096xf32, #tpu.memory_space<hbm>> -> memref<1x4096xf32, #tpu.memory_space<hbm>>
      %dma_start3A_177 = tpu.memref_squeeze %dma_start3A_176 : memref<1x4096xf32, #tpu.memory_space<hbm>> -> memref<4096xf32, #tpu.memory_space<hbm>>
      %dma_start3A_178 = arith.constant 0 : i32
      %dma_start3A_179 = tpu.memref_slice %arg4[%add3A_124, %dma_start3A_178] : memref<512x4096xf32, #tpu.memory_space<hbm>> -> memref<1x4096xf32, #tpu.memory_space<hbm>>
      %dma_start3A_180 = tpu.memref_squeeze %dma_start3A_179 : memref<1x4096xf32, #tpu.memory_space<hbm>> -> memref<4096xf32, #tpu.memory_space<hbm>>
      tpu.enqueue_dma source(%arg7 : memref<4096xf32, #tpu.memory_space<vmem>>) target(%dma_start3A_180 : memref<4096xf32, #tpu.memory_space<hbm>>) target_semaphore(%run_scoped3A : memref<!tpu.dma_semaphore, #tpu.memory_space<semaphore_mem>>)
      %dma_wait3A = arith.constant 0 : i32
      %dma_wait3A_181 = tpu.memref_slice %arg4[%add3A_124, %dma_wait3A] : memref<512x4096xf32, #tpu.memory_space<hbm>> -> memref<1x4096xf32, #tpu.memory_space<hbm>>
      %dma_wait3A_182 = tpu.memref_squeeze %dma_wait3A_181 : memref<1x4096xf32, #tpu.memory_space<hbm>> -> memref<4096xf32, #tpu.memory_space<hbm>>
      %dma_wait3A_183 = arith.constant 0 : i32
      %dma_wait3A_184 = tpu.memref_slice %arg4[%add3A_124, %dma_wait3A_183] : memref<512x4096xf32, #tpu.memory_space<hbm>> -> memref<1x4096xf32, #tpu.memory_space<hbm>>
      %dma_wait3A_185 = tpu.memref_squeeze %dma_wait3A_184 : memref<1x4096xf32, #tpu.memory_space<hbm>> -> memref<4096xf32, #tpu.memory_space<hbm>>
      tpu.wait_dma2 semaphore(%run_scoped3A : memref<!tpu.dma_semaphore, #tpu.memory_space<semaphore_mem>>) src(%arg7 : memref<4096xf32, #tpu.memory_space<vmem>>) dst(%dma_wait3A_185 : memref<4096xf32, #tpu.memory_space<hbm>>)
      tpu.yield
    }) : () -> ()
    %mul3A_132 = arith.constant 16 : i32
    %mul3A_133 = arith.muli %add3A, %mul3A_132 : i32
    %add3A_134 = arith.constant 12 : i32
    %add3A_135 = arith.addi %mul3A_133, %add3A_134 : i32
    "tpu.region"() ({
      %run_scoped3A = tpu.sem_alloc : memref<!tpu.dma_semaphore, #tpu.memory_space<semaphore_mem>>
      %dma_start3A = arith.constant 0 : i32
      %dma_start3A_176 = tpu.memref_slice %arg3[%add3A_135, %dma_start3A] : memref<512x100000xf32, #tpu.memory_space<hbm>> -> memref<1x100000xf32, #tpu.memory_space<hbm>>
      %dma_start3A_177 = tpu.memref_squeeze %dma_start3A_176 : memref<1x100000xf32, #tpu.memory_space<hbm>> -> memref<100000xf32, #tpu.memory_space<hbm>>
      %dma_start3A_178 = arith.constant 0 : i32
      %dma_start3A_179 = tpu.memref_slice %arg3[%add3A_135, %dma_start3A_178] : memref<512x100000xf32, #tpu.memory_space<hbm>> -> memref<1x100000xf32, #tpu.memory_space<hbm>>
      %dma_start3A_180 = tpu.memref_squeeze %dma_start3A_179 : memref<1x100000xf32, #tpu.memory_space<hbm>> -> memref<100000xf32, #tpu.memory_space<hbm>>
      tpu.enqueue_dma source(%dma_start3A_180 : memref<100000xf32, #tpu.memory_space<hbm>>) target(%arg6 : memref<100000xf32, #tpu.memory_space<vmem>>) target_semaphore(%run_scoped3A : memref<!tpu.dma_semaphore, #tpu.memory_space<semaphore_mem>>)
      %dma_wait3A = arith.constant 0 : i32
      %dma_wait3A_181 = tpu.memref_slice %arg3[%add3A_135, %dma_wait3A] : memref<512x100000xf32, #tpu.memory_space<hbm>> -> memref<1x100000xf32, #tpu.memory_space<hbm>>
      %dma_wait3A_182 = tpu.memref_squeeze %dma_wait3A_181 : memref<1x100000xf32, #tpu.memory_space<hbm>> -> memref<100000xf32, #tpu.memory_space<hbm>>
      %dma_wait3A_183 = arith.constant 0 : i32
      %dma_wait3A_184 = tpu.memref_slice %arg3[%add3A_135, %dma_wait3A_183] : memref<512x100000xf32, #tpu.memory_space<hbm>> -> memref<1x100000xf32, #tpu.memory_space<hbm>>
      %dma_wait3A_185 = tpu.memref_squeeze %dma_wait3A_184 : memref<1x100000xf32, #tpu.memory_space<hbm>> -> memref<100000xf32, #tpu.memory_space<hbm>>
      tpu.wait_dma2 semaphore(%run_scoped3A : memref<!tpu.dma_semaphore, #tpu.memory_space<semaphore_mem>>) src(%dma_wait3A_185 : memref<100000xf32, #tpu.memory_space<hbm>>) dst(%arg6 : memref<100000xf32, #tpu.memory_space<vmem>>)
      tpu.yield
    }) : () -> ()
    %scan3A_136 = arith.constant 0 : i32
    %scan3A_137 = arith.constant 0 : i32
    %scan3A_138 = arith.constant 256 : i32
    %scan3A_139 = arith.addi %scan3A_137, %scan3A_138 : i32
    %scan3A_140 = arith.constant 1 : i32
    %scan3A_141 = scf.for %scan3A_176 = %scan3A_137 to %scan3A_139 step %scan3A_140 iter_args(%scan3A_177 = %scan3A_136) -> (i32)  : i32 {
      %mul3A_178 = arith.constant 16 : i32
      %mul3A_179 = arith.muli %scan3A_176, %mul3A_178 : i32
      %get3A = arith.index_cast %mul3A_179 : i32 to index
      %get3A_180 = tpu.vector_load %arg5[%get3A] {strides = array<i32>} : memref<4096xi32, #tpu.memory_space<vmem>>, vector<16xi32>,
      %gather3A = tpu.vector_load_idx %arg6[%get3A_180] : memref<100000xf32, #tpu.memory_space<vmem>>[vector<16xi32>], vector<16xf32>,
      %mul3A_181 = arith.constant 16 : i32
      %mul3A_182 = arith.muli %scan3A_176, %mul3A_181 : i32
      %swap3A = arith.index_cast %mul3A_182 : i32 to index
      %swap3A_183 = tpu.vector_load %arg7[%swap3A] {strides = array<i32>} : memref<4096xf32, #tpu.memory_space<vmem>>, vector<16xf32>,
      tpu.vector_store %arg7[%swap3A], %gather3A {strides = array<i32>} : memref<4096xf32, #tpu.memory_space<vmem>>, vector<16xf32>,
      %scan3A_184 = arith.constant 0 : i32
      scf.yield %scan3A_184 : i32
    }
    %scan3A_142 = arith.constant 256 : i32
    "tpu.region"() ({
      %run_scoped3A = tpu.sem_alloc : memref<!tpu.dma_semaphore, #tpu.memory_space<semaphore_mem>>
      %dma_start3A = arith.constant 0 : i32
      %dma_start3A_176 = tpu.memref_slice %arg4[%add3A_135, %dma_start3A] : memref<512x4096xf32, #tpu.memory_space<hbm>> -> memref<1x4096xf32, #tpu.memory_space<hbm>>
      %dma_start3A_177 = tpu.memref_squeeze %dma_start3A_176 : memref<1x4096xf32, #tpu.memory_space<hbm>> -> memref<4096xf32, #tpu.memory_space<hbm>>
      %dma_start3A_178 = arith.constant 0 : i32
      %dma_start3A_179 = tpu.memref_slice %arg4[%add3A_135, %dma_start3A_178] : memref<512x4096xf32, #tpu.memory_space<hbm>> -> memref<1x4096xf32, #tpu.memory_space<hbm>>
      %dma_start3A_180 = tpu.memref_squeeze %dma_start3A_179 : memref<1x4096xf32, #tpu.memory_space<hbm>> -> memref<4096xf32, #tpu.memory_space<hbm>>
      tpu.enqueue_dma source(%arg7 : memref<4096xf32, #tpu.memory_space<vmem>>) target(%dma_start3A_180 : memref<4096xf32, #tpu.memory_space<hbm>>) target_semaphore(%run_scoped3A : memref<!tpu.dma_semaphore, #tpu.memory_space<semaphore_mem>>)
      %dma_wait3A = arith.constant 0 : i32
      %dma_wait3A_181 = tpu.memref_slice %arg4[%add3A_135, %dma_wait3A] : memref<512x4096xf32, #tpu.memory_space<hbm>> -> memref<1x4096xf32, #tpu.memory_space<hbm>>
      %dma_wait3A_182 = tpu.memref_squeeze %dma_wait3A_181 : memref<1x4096xf32, #tpu.memory_space<hbm>> -> memref<4096xf32, #tpu.memory_space<hbm>>
      %dma_wait3A_183 = arith.constant 0 : i32
      %dma_wait3A_184 = tpu.memref_slice %arg4[%add3A_135, %dma_wait3A_183] : memref<512x4096xf32, #tpu.memory_space<hbm>> -> memref<1x4096xf32, #tpu.memory_space<hbm>>
      %dma_wait3A_185 = tpu.memref_squeeze %dma_wait3A_184 : memref<1x4096xf32, #tpu.memory_space<hbm>> -> memref<4096xf32, #tpu.memory_space<hbm>>
      tpu.wait_dma2 semaphore(%run_scoped3A : memref<!tpu.dma_semaphore, #tpu.memory_space<semaphore_mem>>) src(%arg7 : memref<4096xf32, #tpu.memory_space<vmem>>) dst(%dma_wait3A_185 : memref<4096xf32, #tpu.memory_space<hbm>>)
      tpu.yield
    }) : () -> ()
    %mul3A_143 = arith.constant 16 : i32
    %mul3A_144 = arith.muli %add3A, %mul3A_143 : i32
    %add3A_145 = arith.constant 13 : i32
    %add3A_146 = arith.addi %mul3A_144, %add3A_145 : i32
    "tpu.region"() ({
      %run_scoped3A = tpu.sem_alloc : memref<!tpu.dma_semaphore, #tpu.memory_space<semaphore_mem>>
      %dma_start3A = arith.constant 0 : i32
      %dma_start3A_176 = tpu.memref_slice %arg3[%add3A_146, %dma_start3A] : memref<512x100000xf32, #tpu.memory_space<hbm>> -> memref<1x100000xf32, #tpu.memory_space<hbm>>
      %dma_start3A_177 = tpu.memref_squeeze %dma_start3A_176 : memref<1x100000xf32, #tpu.memory_space<hbm>> -> memref<100000xf32, #tpu.memory_space<hbm>>
      %dma_start3A_178 = arith.constant 0 : i32
      %dma_start3A_179 = tpu.memref_slice %arg3[%add3A_146, %dma_start3A_178] : memref<512x100000xf32, #tpu.memory_space<hbm>> -> memref<1x100000xf32, #tpu.memory_space<hbm>>
      %dma_start3A_180 = tpu.memref_squeeze %dma_start3A_179 : memref<1x100000xf32, #tpu.memory_space<hbm>> -> memref<100000xf32, #tpu.memory_space<hbm>>
      tpu.enqueue_dma source(%dma_start3A_180 : memref<100000xf32, #tpu.memory_space<hbm>>) target(%arg6 : memref<100000xf32, #tpu.memory_space<vmem>>) target_semaphore(%run_scoped3A : memref<!tpu.dma_semaphore, #tpu.memory_space<semaphore_mem>>)
      %dma_wait3A = arith.constant 0 : i32
      %dma_wait3A_181 = tpu.memref_slice %arg3[%add3A_146, %dma_wait3A] : memref<512x100000xf32, #tpu.memory_space<hbm>> -> memref<1x100000xf32, #tpu.memory_space<hbm>>
      %dma_wait3A_182 = tpu.memref_squeeze %dma_wait3A_181 : memref<1x100000xf32, #tpu.memory_space<hbm>> -> memref<100000xf32, #tpu.memory_space<hbm>>
      %dma_wait3A_183 = arith.constant 0 : i32
      %dma_wait3A_184 = tpu.memref_slice %arg3[%add3A_146, %dma_wait3A_183] : memref<512x100000xf32, #tpu.memory_space<hbm>> -> memref<1x100000xf32, #tpu.memory_space<hbm>>
      %dma_wait3A_185 = tpu.memref_squeeze %dma_wait3A_184 : memref<1x100000xf32, #tpu.memory_space<hbm>> -> memref<100000xf32, #tpu.memory_space<hbm>>
      tpu.wait_dma2 semaphore(%run_scoped3A : memref<!tpu.dma_semaphore, #tpu.memory_space<semaphore_mem>>) src(%dma_wait3A_185 : memref<100000xf32, #tpu.memory_space<hbm>>) dst(%arg6 : memref<100000xf32, #tpu.memory_space<vmem>>)
      tpu.yield
    }) : () -> ()
    %scan3A_147 = arith.constant 0 : i32
    %scan3A_148 = arith.constant 0 : i32
    %scan3A_149 = arith.constant 256 : i32
    %scan3A_150 = arith.addi %scan3A_148, %scan3A_149 : i32
    %scan3A_151 = arith.constant 1 : i32
    %scan3A_152 = scf.for %scan3A_176 = %scan3A_148 to %scan3A_150 step %scan3A_151 iter_args(%scan3A_177 = %scan3A_147) -> (i32)  : i32 {
      %mul3A_178 = arith.constant 16 : i32
      %mul3A_179 = arith.muli %scan3A_176, %mul3A_178 : i32
      %get3A = arith.index_cast %mul3A_179 : i32 to index
      %get3A_180 = tpu.vector_load %arg5[%get3A] {strides = array<i32>} : memref<4096xi32, #tpu.memory_space<vmem>>, vector<16xi32>,
      %gather3A = tpu.vector_load_idx %arg6[%get3A_180] : memref<100000xf32, #tpu.memory_space<vmem>>[vector<16xi32>], vector<16xf32>,
      %mul3A_181 = arith.constant 16 : i32
      %mul3A_182 = arith.muli %scan3A_176, %mul3A_181 : i32
      %swap3A = arith.index_cast %mul3A_182 : i32 to index
      %swap3A_183 = tpu.vector_load %arg7[%swap3A] {strides = array<i32>} : memref<4096xf32, #tpu.memory_space<vmem>>, vector<16xf32>,
      tpu.vector_store %arg7[%swap3A], %gather3A {strides = array<i32>} : memref<4096xf32, #tpu.memory_space<vmem>>, vector<16xf32>,
      %scan3A_184 = arith.constant 0 : i32
      scf.yield %scan3A_184 : i32
    }
    %scan3A_153 = arith.constant 256 : i32
    "tpu.region"() ({
      %run_scoped3A = tpu.sem_alloc : memref<!tpu.dma_semaphore, #tpu.memory_space<semaphore_mem>>
      %dma_start3A = arith.constant 0 : i32
      %dma_start3A_176 = tpu.memref_slice %arg4[%add3A_146, %dma_start3A] : memref<512x4096xf32, #tpu.memory_space<hbm>> -> memref<1x4096xf32, #tpu.memory_space<hbm>>
      %dma_start3A_177 = tpu.memref_squeeze %dma_start3A_176 : memref<1x4096xf32, #tpu.memory_space<hbm>> -> memref<4096xf32, #tpu.memory_space<hbm>>
      %dma_start3A_178 = arith.constant 0 : i32
      %dma_start3A_179 = tpu.memref_slice %arg4[%add3A_146, %dma_start3A_178] : memref<512x4096xf32, #tpu.memory_space<hbm>> -> memref<1x4096xf32, #tpu.memory_space<hbm>>
      %dma_start3A_180 = tpu.memref_squeeze %dma_start3A_179 : memref<1x4096xf32, #tpu.memory_space<hbm>> -> memref<4096xf32, #tpu.memory_space<hbm>>
      tpu.enqueue_dma source(%arg7 : memref<4096xf32, #tpu.memory_space<vmem>>) target(%dma_start3A_180 : memref<4096xf32, #tpu.memory_space<hbm>>) target_semaphore(%run_scoped3A : memref<!tpu.dma_semaphore, #tpu.memory_space<semaphore_mem>>)
      %dma_wait3A = arith.constant 0 : i32
      %dma_wait3A_181 = tpu.memref_slice %arg4[%add3A_146, %dma_wait3A] : memref<512x4096xf32, #tpu.memory_space<hbm>> -> memref<1x4096xf32, #tpu.memory_space<hbm>>
      %dma_wait3A_182 = tpu.memref_squeeze %dma_wait3A_181 : memref<1x4096xf32, #tpu.memory_space<hbm>> -> memref<4096xf32, #tpu.memory_space<hbm>>
      %dma_wait3A_183 = arith.constant 0 : i32
      %dma_wait3A_184 = tpu.memref_slice %arg4[%add3A_146, %dma_wait3A_183] : memref<512x4096xf32, #tpu.memory_space<hbm>> -> memref<1x4096xf32, #tpu.memory_space<hbm>>
      %dma_wait3A_185 = tpu.memref_squeeze %dma_wait3A_184 : memref<1x4096xf32, #tpu.memory_space<hbm>> -> memref<4096xf32, #tpu.memory_space<hbm>>
      tpu.wait_dma2 semaphore(%run_scoped3A : memref<!tpu.dma_semaphore, #tpu.memory_space<semaphore_mem>>) src(%arg7 : memref<4096xf32, #tpu.memory_space<vmem>>) dst(%dma_wait3A_185 : memref<4096xf32, #tpu.memory_space<hbm>>)
      tpu.yield
    }) : () -> ()
    %mul3A_154 = arith.constant 16 : i32
    %mul3A_155 = arith.muli %add3A, %mul3A_154 : i32
    %add3A_156 = arith.constant 14 : i32
    %add3A_157 = arith.addi %mul3A_155, %add3A_156 : i32
    "tpu.region"() ({
      %run_scoped3A = tpu.sem_alloc : memref<!tpu.dma_semaphore, #tpu.memory_space<semaphore_mem>>
      %dma_start3A = arith.constant 0 : i32
      %dma_start3A_176 = tpu.memref_slice %arg3[%add3A_157, %dma_start3A] : memref<512x100000xf32, #tpu.memory_space<hbm>> -> memref<1x100000xf32, #tpu.memory_space<hbm>>
      %dma_start3A_177 = tpu.memref_squeeze %dma_start3A_176 : memref<1x100000xf32, #tpu.memory_space<hbm>> -> memref<100000xf32, #tpu.memory_space<hbm>>
      %dma_start3A_178 = arith.constant 0 : i32
      %dma_start3A_179 = tpu.memref_slice %arg3[%add3A_157, %dma_start3A_178] : memref<512x100000xf32, #tpu.memory_space<hbm>> -> memref<1x100000xf32, #tpu.memory_space<hbm>>
      %dma_start3A_180 = tpu.memref_squeeze %dma_start3A_179 : memref<1x100000xf32, #tpu.memory_space<hbm>> -> memref<100000xf32, #tpu.memory_space<hbm>>
      tpu.enqueue_dma source(%dma_start3A_180 : memref<100000xf32, #tpu.memory_space<hbm>>) target(%arg6 : memref<100000xf32, #tpu.memory_space<vmem>>) target_semaphore(%run_scoped3A : memref<!tpu.dma_semaphore, #tpu.memory_space<semaphore_mem>>)
      %dma_wait3A = arith.constant 0 : i32
      %dma_wait3A_181 = tpu.memref_slice %arg3[%add3A_157, %dma_wait3A] : memref<512x100000xf32, #tpu.memory_space<hbm>> -> memref<1x100000xf32, #tpu.memory_space<hbm>>
      %dma_wait3A_182 = tpu.memref_squeeze %dma_wait3A_181 : memref<1x100000xf32, #tpu.memory_space<hbm>> -> memref<100000xf32, #tpu.memory_space<hbm>>
      %dma_wait3A_183 = arith.constant 0 : i32
      %dma_wait3A_184 = tpu.memref_slice %arg3[%add3A_157, %dma_wait3A_183] : memref<512x100000xf32, #tpu.memory_space<hbm>> -> memref<1x100000xf32, #tpu.memory_space<hbm>>
      %dma_wait3A_185 = tpu.memref_squeeze %dma_wait3A_184 : memref<1x100000xf32, #tpu.memory_space<hbm>> -> memref<100000xf32, #tpu.memory_space<hbm>>
      tpu.wait_dma2 semaphore(%run_scoped3A : memref<!tpu.dma_semaphore, #tpu.memory_space<semaphore_mem>>) src(%dma_wait3A_185 : memref<100000xf32, #tpu.memory_space<hbm>>) dst(%arg6 : memref<100000xf32, #tpu.memory_space<vmem>>)
      tpu.yield
    }) : () -> ()
    %scan3A_158 = arith.constant 0 : i32
    %scan3A_159 = arith.constant 0 : i32
    %scan3A_160 = arith.constant 256 : i32
    %scan3A_161 = arith.addi %scan3A_159, %scan3A_160 : i32
    %scan3A_162 = arith.constant 1 : i32
    %scan3A_163 = scf.for %scan3A_176 = %scan3A_159 to %scan3A_161 step %scan3A_162 iter_args(%scan3A_177 = %scan3A_158) -> (i32)  : i32 {
      %mul3A_178 = arith.constant 16 : i32
      %mul3A_179 = arith.muli %scan3A_176, %mul3A_178 : i32
      %get3A = arith.index_cast %mul3A_179 : i32 to index
      %get3A_180 = tpu.vector_load %arg5[%get3A] {strides = array<i32>} : memref<4096xi32, #tpu.memory_space<vmem>>, vector<16xi32>,
      %gather3A = tpu.vector_load_idx %arg6[%get3A_180] : memref<100000xf32, #tpu.memory_space<vmem>>[vector<16xi32>], vector<16xf32>,
      %mul3A_181 = arith.constant 16 : i32
      %mul3A_182 = arith.muli %scan3A_176, %mul3A_181 : i32
      %swap3A = arith.index_cast %mul3A_182 : i32 to index
      %swap3A_183 = tpu.vector_load %arg7[%swap3A] {strides = array<i32>} : memref<4096xf32, #tpu.memory_space<vmem>>, vector<16xf32>,
      tpu.vector_store %arg7[%swap3A], %gather3A {strides = array<i32>} : memref<4096xf32, #tpu.memory_space<vmem>>, vector<16xf32>,
      %scan3A_184 = arith.constant 0 : i32
      scf.yield %scan3A_184 : i32
    }
    %scan3A_164 = arith.constant 256 : i32
    "tpu.region"() ({
      %run_scoped3A = tpu.sem_alloc : memref<!tpu.dma_semaphore, #tpu.memory_space<semaphore_mem>>
      %dma_start3A = arith.constant 0 : i32
      %dma_start3A_176 = tpu.memref_slice %arg4[%add3A_157, %dma_start3A] : memref<512x4096xf32, #tpu.memory_space<hbm>> -> memref<1x4096xf32, #tpu.memory_space<hbm>>
      %dma_start3A_177 = tpu.memref_squeeze %dma_start3A_176 : memref<1x4096xf32, #tpu.memory_space<hbm>> -> memref<4096xf32, #tpu.memory_space<hbm>>
      %dma_start3A_178 = arith.constant 0 : i32
      %dma_start3A_179 = tpu.memref_slice %arg4[%add3A_157, %dma_start3A_178] : memref<512x4096xf32, #tpu.memory_space<hbm>> -> memref<1x4096xf32, #tpu.memory_space<hbm>>
      %dma_start3A_180 = tpu.memref_squeeze %dma_start3A_179 : memref<1x4096xf32, #tpu.memory_space<hbm>> -> memref<4096xf32, #tpu.memory_space<hbm>>
      tpu.enqueue_dma source(%arg7 : memref<4096xf32, #tpu.memory_space<vmem>>) target(%dma_start3A_180 : memref<4096xf32, #tpu.memory_space<hbm>>) target_semaphore(%run_scoped3A : memref<!tpu.dma_semaphore, #tpu.memory_space<semaphore_mem>>)
      %dma_wait3A = arith.constant 0 : i32
      %dma_wait3A_181 = tpu.memref_slice %arg4[%add3A_157, %dma_wait3A] : memref<512x4096xf32, #tpu.memory_space<hbm>> -> memref<1x4096xf32, #tpu.memory_space<hbm>>
      %dma_wait3A_182 = tpu.memref_squeeze %dma_wait3A_181 : memref<1x4096xf32, #tpu.memory_space<hbm>> -> memref<4096xf32, #tpu.memory_space<hbm>>
      %dma_wait3A_183 = arith.constant 0 : i32
      %dma_wait3A_184 = tpu.memref_slice %arg4[%add3A_157, %dma_wait3A_183] : memref<512x4096xf32, #tpu.memory_space<hbm>> -> memref<1x4096xf32, #tpu.memory_space<hbm>>
      %dma_wait3A_185 = tpu.memref_squeeze %dma_wait3A_184 : memref<1x4096xf32, #tpu.memory_space<hbm>> -> memref<4096xf32, #tpu.memory_space<hbm>>
      tpu.wait_dma2 semaphore(%run_scoped3A : memref<!tpu.dma_semaphore, #tpu.memory_space<semaphore_mem>>) src(%arg7 : memref<4096xf32, #tpu.memory_space<vmem>>) dst(%dma_wait3A_185 : memref<4096xf32, #tpu.memory_space<hbm>>)
      tpu.yield
    }) : () -> ()
    %mul3A_165 = arith.constant 16 : i32
    %mul3A_166 = arith.muli %add3A, %mul3A_165 : i32
    %add3A_167 = arith.constant 15 : i32
    %add3A_168 = arith.addi %mul3A_166, %add3A_167 : i32
    "tpu.region"() ({
      %run_scoped3A = tpu.sem_alloc : memref<!tpu.dma_semaphore, #tpu.memory_space<semaphore_mem>>
      %dma_start3A = arith.constant 0 : i32
      %dma_start3A_176 = tpu.memref_slice %arg3[%add3A_168, %dma_start3A] : memref<512x100000xf32, #tpu.memory_space<hbm>> -> memref<1x100000xf32, #tpu.memory_space<hbm>>
      %dma_start3A_177 = tpu.memref_squeeze %dma_start3A_176 : memref<1x100000xf32, #tpu.memory_space<hbm>> -> memref<100000xf32, #tpu.memory_space<hbm>>
      %dma_start3A_178 = arith.constant 0 : i32
      %dma_start3A_179 = tpu.memref_slice %arg3[%add3A_168, %dma_start3A_178] : memref<512x100000xf32, #tpu.memory_space<hbm>> -> memref<1x100000xf32, #tpu.memory_space<hbm>>
      %dma_start3A_180 = tpu.memref_squeeze %dma_start3A_179 : memref<1x100000xf32, #tpu.memory_space<hbm>> -> memref<100000xf32, #tpu.memory_space<hbm>>
      tpu.enqueue_dma source(%dma_start3A_180 : memref<100000xf32, #tpu.memory_space<hbm>>) target(%arg6 : memref<100000xf32, #tpu.memory_space<vmem>>) target_semaphore(%run_scoped3A : memref<!tpu.dma_semaphore, #tpu.memory_space<semaphore_mem>>)
      %dma_wait3A = arith.constant 0 : i32
      %dma_wait3A_181 = tpu.memref_slice %arg3[%add3A_168, %dma_wait3A] : memref<512x100000xf32, #tpu.memory_space<hbm>> -> memref<1x100000xf32, #tpu.memory_space<hbm>>
      %dma_wait3A_182 = tpu.memref_squeeze %dma_wait3A_181 : memref<1x100000xf32, #tpu.memory_space<hbm>> -> memref<100000xf32, #tpu.memory_space<hbm>>
      %dma_wait3A_183 = arith.constant 0 : i32
      %dma_wait3A_184 = tpu.memref_slice %arg3[%add3A_168, %dma_wait3A_183] : memref<512x100000xf32, #tpu.memory_space<hbm>> -> memref<1x100000xf32, #tpu.memory_space<hbm>>
      %dma_wait3A_185 = tpu.memref_squeeze %dma_wait3A_184 : memref<1x100000xf32, #tpu.memory_space<hbm>> -> memref<100000xf32, #tpu.memory_space<hbm>>
      tpu.wait_dma2 semaphore(%run_scoped3A : memref<!tpu.dma_semaphore, #tpu.memory_space<semaphore_mem>>) src(%dma_wait3A_185 : memref<100000xf32, #tpu.memory_space<hbm>>) dst(%arg6 : memref<100000xf32, #tpu.memory_space<vmem>>)
      tpu.yield
    }) : () -> ()
    %scan3A_169 = arith.constant 0 : i32
    %scan3A_170 = arith.constant 0 : i32
    %scan3A_171 = arith.constant 256 : i32
    %scan3A_172 = arith.addi %scan3A_170, %scan3A_171 : i32
    %scan3A_173 = arith.constant 1 : i32
    %scan3A_174 = scf.for %scan3A_176 = %scan3A_170 to %scan3A_172 step %scan3A_173 iter_args(%scan3A_177 = %scan3A_169) -> (i32)  : i32 {
      %mul3A_178 = arith.constant 16 : i32
      %mul3A_179 = arith.muli %scan3A_176, %mul3A_178 : i32
      %get3A = arith.index_cast %mul3A_179 : i32 to index
      %get3A_180 = tpu.vector_load %arg5[%get3A] {strides = array<i32>} : memref<4096xi32, #tpu.memory_space<vmem>>, vector<16xi32>,
      %gather3A = tpu.vector_load_idx %arg6[%get3A_180] : memref<100000xf32, #tpu.memory_space<vmem>>[vector<16xi32>], vector<16xf32>,
      %mul3A_181 = arith.constant 16 : i32
      %mul3A_182 = arith.muli %scan3A_176, %mul3A_181 : i32
      %swap3A = arith.index_cast %mul3A_182 : i32 to index
      %swap3A_183 = tpu.vector_load %arg7[%swap3A] {strides = array<i32>} : memref<4096xf32, #tpu.memory_space<vmem>>, vector<16xf32>,
      tpu.vector_store %arg7[%swap3A], %gather3A {strides = array<i32>} : memref<4096xf32, #tpu.memory_space<vmem>>, vector<16xf32>,
      %scan3A_184 = arith.constant 0 : i32
      scf.yield %scan3A_184 : i32
    }
    %scan3A_175 = arith.constant 256 : i32
    "tpu.region"() ({
      %run_scoped3A = tpu.sem_alloc : memref<!tpu.dma_semaphore, #tpu.memory_space<semaphore_mem>>
      %dma_start3A = arith.constant 0 : i32
      %dma_start3A_176 = tpu.memref_slice %arg4[%add3A_168, %dma_start3A] : memref<512x4096xf32, #tpu.memory_space<hbm>> -> memref<1x4096xf32, #tpu.memory_space<hbm>>
      %dma_start3A_177 = tpu.memref_squeeze %dma_start3A_176 : memref<1x4096xf32, #tpu.memory_space<hbm>> -> memref<4096xf32, #tpu.memory_space<hbm>>
      %dma_start3A_178 = arith.constant 0 : i32
      %dma_start3A_179 = tpu.memref_slice %arg4[%add3A_168, %dma_start3A_178] : memref<512x4096xf32, #tpu.memory_space<hbm>> -> memref<1x4096xf32, #tpu.memory_space<hbm>>
      %dma_start3A_180 = tpu.memref_squeeze %dma_start3A_179 : memref<1x4096xf32, #tpu.memory_space<hbm>> -> memref<4096xf32, #tpu.memory_space<hbm>>
      tpu.enqueue_dma source(%arg7 : memref<4096xf32, #tpu.memory_space<vmem>>) target(%dma_start3A_180 : memref<4096xf32, #tpu.memory_space<hbm>>) target_semaphore(%run_scoped3A : memref<!tpu.dma_semaphore, #tpu.memory_space<semaphore_mem>>)
      %dma_wait3A = arith.constant 0 : i32
      %dma_wait3A_181 = tpu.memref_slice %arg4[%add3A_168, %dma_wait3A] : memref<512x4096xf32, #tpu.memory_space<hbm>> -> memref<1x4096xf32, #tpu.memory_space<hbm>>
      %dma_wait3A_182 = tpu.memref_squeeze %dma_wait3A_181 : memref<1x4096xf32, #tpu.memory_space<hbm>> -> memref<4096xf32, #tpu.memory_space<hbm>>
      %dma_wait3A_183 = arith.constant 0 : i32
      %dma_wait3A_184 = tpu.memref_slice %arg4[%add3A_168, %dma_wait3A_183] : memref<512x4096xf32, #tpu.memory_space<hbm>> -> memref<1x4096xf32, #tpu.memory_space<hbm>>
      %dma_wait3A_185 = tpu.memref_squeeze %dma_wait3A_184 : memref<1x4096xf32, #tpu.memory_space<hbm>> -> memref<4096xf32, #tpu.memory_space<hbm>>
      tpu.wait_dma2 semaphore(%run_scoped3A : memref<!tpu.dma_semaphore, #tpu.memory_space<semaphore_mem>>) src(%arg7 : memref<4096xf32, #tpu.memory_space<vmem>>) dst(%dma_wait3A_185 : memref<4096xf32, #tpu.memory_space<hbm>>)
      tpu.yield
    }) : () -> ()
    return
  }
}

module attributes {stable_mosaic.version = 14 : i64} {
  func.func @body(%arg0: i32, %arg1: memref<32x4096xf32, #tpu.memory_space<vmem>>, %arg2: memref<512x32xf32, #tpu.memory_space<vmem>>, %arg3: memref<4096x512xf32, #tpu.memory_space<vmem>>) attributes {dimension_semantics = [#tpu.dimension_semantics<arbitrary>], iteration_bounds = array<i64: 25>, scalar_prefetch = 0 : i64, scratch_operands = 0 : i64, tpu.core_type = #tpu.core_type<tc>, window_params = [{transform_indices = @transform_0, window_bounds = array<i64: 32, 4096>}, {pipeline_mode = #tpu.pipeline_mode<synchronous>, transform_indices = @transform_1, window_bounds = array<i64: 512, 32>}, {transform_indices = @transform_2, window_bounds = array<i64: 4096, 512>}]} {
    %get3A = arith.constant 0 : index
    %get3A_0 = arith.constant 0 : index
    %get3A_1 = vector.load %arg1[%get3A, %get3A_0] : memref<32x4096xf32, #tpu.memory_space<vmem>>, vector<32x4096xf32>
    %get3A_2 = arith.constant 0 : index
    %get3A_3 = arith.constant 0 : index
    %get3A_4 = vector.load %arg2[%get3A_2, %get3A_3] : memref<512x32xf32, #tpu.memory_space<vmem>>, vector<512x32xf32>
    %dot_general3A = arith.constant dense<0.000000e+00> : vector<4096x512xf32>
    %dot_general3A_5 = tpu.matmul %get3A_1, %get3A_4, %dot_general3A {dimension_numbers = #tpu.dot_dimension_numbers<[0], [1], [1], [0], [0, 1, 1, 0], [], []>, transpose_lhs_hint = false} : vector<32x4096xf32>, vector<512x32xf32>, vector<4096x512xf32> -> vector<4096x512xf32>
    %swap3A = arith.constant 0 : index
    %swap3A_6 = arith.constant 0 : index
    %swap3A_7 = vector.load %arg3[%swap3A, %swap3A_6] : memref<4096x512xf32, #tpu.memory_space<vmem>>, vector<4096x512xf32>
    tpu.vector_store %arg3[%swap3A, %swap3A_6], %dot_general3A_5 {strides = array<i32>} : memref<4096x512xf32, #tpu.memory_space<vmem>>, vector<4096x512xf32>,
    return
  }
  func.func @transform_0(%arg0: i32) -> (i32, i32) {
    %c0_i32 = arith.constant 0 : i32
    %c0_i32_0 = arith.constant 0 : i32
    return %c0_i32, %arg0 : i32, i32
  }
  func.func @transform_1(%arg0: i32) -> (i32, i32) {
    %c0_i32 = arith.constant 0 : i32
    %c0_i32_0 = arith.constant 0 : i32
    %c0_i32_1 = arith.constant 0 : i32
    return %c0_i32, %c0_i32_0 : i32, i32
  }
  func.func @transform_2(%arg0: i32) -> (i32, i32) {
    %c0_i32 = arith.constant 0 : i32
    %c0_i32_0 = arith.constant 0 : i32
    return %arg0, %c0_i32 : i32, i32
  }
}

module attributes {stable_mosaic.version = 14 : i64} {
  func.func @body(%arg0: i32, %arg1: i32, %arg2: memref<512x32xf32, #tpu.memory_space<vmem>>, %arg3: memref<32x8x512xf32, #tpu.memory_space<vmem>>, %arg4: memref<512x8x512xf32, #tpu.memory_space<vmem>>) attributes {dimension_semantics = [#tpu.dimension_semantics<arbitrary>, #tpu.dimension_semantics<arbitrary>], iteration_bounds = array<i64: 2, 8>, scalar_prefetch = 0 : i64, scratch_operands = 0 : i64, tpu.core_type = #tpu.core_type<tc>, window_params = [{pipeline_mode = #tpu.pipeline_mode<synchronous>, transform_indices = @transform_0, window_bounds = array<i64: 512, 32>}, {transform_indices = @transform_1, window_bounds = array<i64: 32, 8, 512>}, {transform_indices = @transform_2, window_bounds = array<i64: 512, 8, 512>}]} {
    %get3A = arith.constant 0 : index
    %get3A_0 = arith.constant 0 : index
    %get3A_1 = vector.load %arg2[%get3A, %get3A_0] : memref<512x32xf32, #tpu.memory_space<vmem>>, vector<512x32xf32>
    %get3A_2 = arith.constant 0 : index
    %get3A_3 = arith.constant 0 : index
    %get3A_4 = arith.constant 0 : index
    %get3A_5 = vector.load %arg3[%get3A_2, %get3A_3, %get3A_4] : memref<32x8x512xf32, #tpu.memory_space<vmem>>, vector<32x1x512xf32>
    %get3A_6 = vector.shape_cast %get3A_5 : vector<32x1x512xf32> to vector<32x512xf32>
    %dot_general3A = arith.constant dense<0.000000e+00> : vector<512x512xf32>
    %dot_general3A_7 = tpu.matmul %get3A_1, %get3A_6, %dot_general3A {dimension_numbers = #tpu.dot_dimension_numbers<[1], [0], [0], [1], [0, 0, 1, 1], [], []>, transpose_lhs_hint = false} : vector<512x32xf32>, vector<32x512xf32>, vector<512x512xf32> -> vector<512x512xf32>
    %swap3A = arith.constant 0 : index
    %swap3A_8 = arith.constant 0 : index
    %swap3A_9 = arith.constant 0 : index
    %swap3A_10 = vector.load %arg4[%swap3A, %swap3A_8, %swap3A_9] : memref<512x8x512xf32, #tpu.memory_space<vmem>>, vector<512x1x512xf32>
    %swap3A_11 = vector.shape_cast %swap3A_10 : vector<512x1x512xf32> to vector<512x512xf32>
    %swap3A_12 = vector.shape_cast %dot_general3A_7 : vector<512x512xf32> to vector<512x1x512xf32>
    tpu.vector_store %arg4[%swap3A, %swap3A_8, %swap3A_9], %swap3A_12 {strides = array<i32>} : memref<512x8x512xf32, #tpu.memory_space<vmem>>, vector<512x1x512xf32>,
    %get3A_13 = arith.constant 0 : index
    %get3A_14 = arith.constant 0 : index
    %get3A_15 = vector.load %arg2[%get3A_13, %get3A_14] : memref<512x32xf32, #tpu.memory_space<vmem>>, vector<512x32xf32>
    %get3A_16 = arith.constant 0 : index
    %get3A_17 = arith.constant 1 : index
    %get3A_18 = arith.constant 0 : index
    %get3A_19 = vector.load %arg3[%get3A_16, %get3A_17, %get3A_18] : memref<32x8x512xf32, #tpu.memory_space<vmem>>, vector<32x1x512xf32>
    %get3A_20 = vector.shape_cast %get3A_19 : vector<32x1x512xf32> to vector<32x512xf32>
    %dot_general3A_21 = arith.constant dense<0.000000e+00> : vector<512x512xf32>
    %dot_general3A_22 = tpu.matmul %get3A_15, %get3A_20, %dot_general3A_21 {dimension_numbers = #tpu.dot_dimension_numbers<[1], [0], [0], [1], [0, 0, 1, 1], [], []>, transpose_lhs_hint = false} : vector<512x32xf32>, vector<32x512xf32>, vector<512x512xf32> -> vector<512x512xf32>
    %swap3A_23 = arith.constant 0 : index
    %swap3A_24 = arith.constant 1 : index
    %swap3A_25 = arith.constant 0 : index
    %swap3A_26 = vector.load %arg4[%swap3A_23, %swap3A_24, %swap3A_25] : memref<512x8x512xf32, #tpu.memory_space<vmem>>, vector<512x1x512xf32>
    %swap3A_27 = vector.shape_cast %swap3A_26 : vector<512x1x512xf32> to vector<512x512xf32>
    %swap3A_28 = vector.shape_cast %dot_general3A_22 : vector<512x512xf32> to vector<512x1x512xf32>
    tpu.vector_store %arg4[%swap3A_23, %swap3A_24, %swap3A_25], %swap3A_28 {strides = array<i32>} : memref<512x8x512xf32, #tpu.memory_space<vmem>>, vector<512x1x512xf32>,
    %get3A_29 = arith.constant 0 : index
    %get3A_30 = arith.constant 0 : index
    %get3A_31 = vector.load %arg2[%get3A_29, %get3A_30] : memref<512x32xf32, #tpu.memory_space<vmem>>, vector<512x32xf32>
    %get3A_32 = arith.constant 0 : index
    %get3A_33 = arith.constant 2 : index
    %get3A_34 = arith.constant 0 : index
    %get3A_35 = vector.load %arg3[%get3A_32, %get3A_33, %get3A_34] : memref<32x8x512xf32, #tpu.memory_space<vmem>>, vector<32x1x512xf32>
    %get3A_36 = vector.shape_cast %get3A_35 : vector<32x1x512xf32> to vector<32x512xf32>
    %dot_general3A_37 = arith.constant dense<0.000000e+00> : vector<512x512xf32>
    %dot_general3A_38 = tpu.matmul %get3A_31, %get3A_36, %dot_general3A_37 {dimension_numbers = #tpu.dot_dimension_numbers<[1], [0], [0], [1], [0, 0, 1, 1], [], []>, transpose_lhs_hint = false} : vector<512x32xf32>, vector<32x512xf32>, vector<512x512xf32> -> vector<512x512xf32>
    %swap3A_39 = arith.constant 0 : index
    %swap3A_40 = arith.constant 2 : index
    %swap3A_41 = arith.constant 0 : index
    %swap3A_42 = vector.load %arg4[%swap3A_39, %swap3A_40, %swap3A_41] : memref<512x8x512xf32, #tpu.memory_space<vmem>>, vector<512x1x512xf32>
    %swap3A_43 = vector.shape_cast %swap3A_42 : vector<512x1x512xf32> to vector<512x512xf32>
    %swap3A_44 = vector.shape_cast %dot_general3A_38 : vector<512x512xf32> to vector<512x1x512xf32>
    tpu.vector_store %arg4[%swap3A_39, %swap3A_40, %swap3A_41], %swap3A_44 {strides = array<i32>} : memref<512x8x512xf32, #tpu.memory_space<vmem>>, vector<512x1x512xf32>,
    %get3A_45 = arith.constant 0 : index
    %get3A_46 = arith.constant 0 : index
    %get3A_47 = vector.load %arg2[%get3A_45, %get3A_46] : memref<512x32xf32, #tpu.memory_space<vmem>>, vector<512x32xf32>
    %get3A_48 = arith.constant 0 : index
    %get3A_49 = arith.constant 3 : index
    %get3A_50 = arith.constant 0 : index
    %get3A_51 = vector.load %arg3[%get3A_48, %get3A_49, %get3A_50] : memref<32x8x512xf32, #tpu.memory_space<vmem>>, vector<32x1x512xf32>
    %get3A_52 = vector.shape_cast %get3A_51 : vector<32x1x512xf32> to vector<32x512xf32>
    %dot_general3A_53 = arith.constant dense<0.000000e+00> : vector<512x512xf32>
    %dot_general3A_54 = tpu.matmul %get3A_47, %get3A_52, %dot_general3A_53 {dimension_numbers = #tpu.dot_dimension_numbers<[1], [0], [0], [1], [0, 0, 1, 1], [], []>, transpose_lhs_hint = false} : vector<512x32xf32>, vector<32x512xf32>, vector<512x512xf32> -> vector<512x512xf32>
    %swap3A_55 = arith.constant 0 : index
    %swap3A_56 = arith.constant 3 : index
    %swap3A_57 = arith.constant 0 : index
    %swap3A_58 = vector.load %arg4[%swap3A_55, %swap3A_56, %swap3A_57] : memref<512x8x512xf32, #tpu.memory_space<vmem>>, vector<512x1x512xf32>
    %swap3A_59 = vector.shape_cast %swap3A_58 : vector<512x1x512xf32> to vector<512x512xf32>
    %swap3A_60 = vector.shape_cast %dot_general3A_54 : vector<512x512xf32> to vector<512x1x512xf32>
    tpu.vector_store %arg4[%swap3A_55, %swap3A_56, %swap3A_57], %swap3A_60 {strides = array<i32>} : memref<512x8x512xf32, #tpu.memory_space<vmem>>, vector<512x1x512xf32>,
    %get3A_61 = arith.constant 0 : index
    %get3A_62 = arith.constant 0 : index
    %get3A_63 = vector.load %arg2[%get3A_61, %get3A_62] : memref<512x32xf32, #tpu.memory_space<vmem>>, vector<512x32xf32>
    %get3A_64 = arith.constant 0 : index
    %get3A_65 = arith.constant 4 : index
    %get3A_66 = arith.constant 0 : index
    %get3A_67 = vector.load %arg3[%get3A_64, %get3A_65, %get3A_66] : memref<32x8x512xf32, #tpu.memory_space<vmem>>, vector<32x1x512xf32>
    %get3A_68 = vector.shape_cast %get3A_67 : vector<32x1x512xf32> to vector<32x512xf32>
    %dot_general3A_69 = arith.constant dense<0.000000e+00> : vector<512x512xf32>
    %dot_general3A_70 = tpu.matmul %get3A_63, %get3A_68, %dot_general3A_69 {dimension_numbers = #tpu.dot_dimension_numbers<[1], [0], [0], [1], [0, 0, 1, 1], [], []>, transpose_lhs_hint = false} : vector<512x32xf32>, vector<32x512xf32>, vector<512x512xf32> -> vector<512x512xf32>
    %swap3A_71 = arith.constant 0 : index
    %swap3A_72 = arith.constant 4 : index
    %swap3A_73 = arith.constant 0 : index
    %swap3A_74 = vector.load %arg4[%swap3A_71, %swap3A_72, %swap3A_73] : memref<512x8x512xf32, #tpu.memory_space<vmem>>, vector<512x1x512xf32>
    %swap3A_75 = vector.shape_cast %swap3A_74 : vector<512x1x512xf32> to vector<512x512xf32>
    %swap3A_76 = vector.shape_cast %dot_general3A_70 : vector<512x512xf32> to vector<512x1x512xf32>
    tpu.vector_store %arg4[%swap3A_71, %swap3A_72, %swap3A_73], %swap3A_76 {strides = array<i32>} : memref<512x8x512xf32, #tpu.memory_space<vmem>>, vector<512x1x512xf32>,
    %get3A_77 = arith.constant 0 : index
    %get3A_78 = arith.constant 0 : index
    %get3A_79 = vector.load %arg2[%get3A_77, %get3A_78] : memref<512x32xf32, #tpu.memory_space<vmem>>, vector<512x32xf32>
    %get3A_80 = arith.constant 0 : index
    %get3A_81 = arith.constant 5 : index
    %get3A_82 = arith.constant 0 : index
    %get3A_83 = vector.load %arg3[%get3A_80, %get3A_81, %get3A_82] : memref<32x8x512xf32, #tpu.memory_space<vmem>>, vector<32x1x512xf32>
    %get3A_84 = vector.shape_cast %get3A_83 : vector<32x1x512xf32> to vector<32x512xf32>
    %dot_general3A_85 = arith.constant dense<0.000000e+00> : vector<512x512xf32>
    %dot_general3A_86 = tpu.matmul %get3A_79, %get3A_84, %dot_general3A_85 {dimension_numbers = #tpu.dot_dimension_numbers<[1], [0], [0], [1], [0, 0, 1, 1], [], []>, transpose_lhs_hint = false} : vector<512x32xf32>, vector<32x512xf32>, vector<512x512xf32> -> vector<512x512xf32>
    %swap3A_87 = arith.constant 0 : index
    %swap3A_88 = arith.constant 5 : index
    %swap3A_89 = arith.constant 0 : index
    %swap3A_90 = vector.load %arg4[%swap3A_87, %swap3A_88, %swap3A_89] : memref<512x8x512xf32, #tpu.memory_space<vmem>>, vector<512x1x512xf32>
    %swap3A_91 = vector.shape_cast %swap3A_90 : vector<512x1x512xf32> to vector<512x512xf32>
    %swap3A_92 = vector.shape_cast %dot_general3A_86 : vector<512x512xf32> to vector<512x1x512xf32>
    tpu.vector_store %arg4[%swap3A_87, %swap3A_88, %swap3A_89], %swap3A_92 {strides = array<i32>} : memref<512x8x512xf32, #tpu.memory_space<vmem>>, vector<512x1x512xf32>,
    %get3A_93 = arith.constant 0 : index
    %get3A_94 = arith.constant 0 : index
    %get3A_95 = vector.load %arg2[%get3A_93, %get3A_94] : memref<512x32xf32, #tpu.memory_space<vmem>>, vector<512x32xf32>
    %get3A_96 = arith.constant 0 : index
    %get3A_97 = arith.constant 6 : index
    %get3A_98 = arith.constant 0 : index
    %get3A_99 = vector.load %arg3[%get3A_96, %get3A_97, %get3A_98] : memref<32x8x512xf32, #tpu.memory_space<vmem>>, vector<32x1x512xf32>
    %get3A_100 = vector.shape_cast %get3A_99 : vector<32x1x512xf32> to vector<32x512xf32>
    %dot_general3A_101 = arith.constant dense<0.000000e+00> : vector<512x512xf32>
    %dot_general3A_102 = tpu.matmul %get3A_95, %get3A_100, %dot_general3A_101 {dimension_numbers = #tpu.dot_dimension_numbers<[1], [0], [0], [1], [0, 0, 1, 1], [], []>, transpose_lhs_hint = false} : vector<512x32xf32>, vector<32x512xf32>, vector<512x512xf32> -> vector<512x512xf32>
    %swap3A_103 = arith.constant 0 : index
    %swap3A_104 = arith.constant 6 : index
    %swap3A_105 = arith.constant 0 : index
    %swap3A_106 = vector.load %arg4[%swap3A_103, %swap3A_104, %swap3A_105] : memref<512x8x512xf32, #tpu.memory_space<vmem>>, vector<512x1x512xf32>
    %swap3A_107 = vector.shape_cast %swap3A_106 : vector<512x1x512xf32> to vector<512x512xf32>
    %swap3A_108 = vector.shape_cast %dot_general3A_102 : vector<512x512xf32> to vector<512x1x512xf32>
    tpu.vector_store %arg4[%swap3A_103, %swap3A_104, %swap3A_105], %swap3A_108 {strides = array<i32>} : memref<512x8x512xf32, #tpu.memory_space<vmem>>, vector<512x1x512xf32>,
    %get3A_109 = arith.constant 0 : index
    %get3A_110 = arith.constant 0 : index
    %get3A_111 = vector.load %arg2[%get3A_109, %get3A_110] : memref<512x32xf32, #tpu.memory_space<vmem>>, vector<512x32xf32>
    %get3A_112 = arith.constant 0 : index
    %get3A_113 = arith.constant 7 : index
    %get3A_114 = arith.constant 0 : index
    %get3A_115 = vector.load %arg3[%get3A_112, %get3A_113, %get3A_114] : memref<32x8x512xf32, #tpu.memory_space<vmem>>, vector<32x1x512xf32>
    %get3A_116 = vector.shape_cast %get3A_115 : vector<32x1x512xf32> to vector<32x512xf32>
    %dot_general3A_117 = arith.constant dense<0.000000e+00> : vector<512x512xf32>
    %dot_general3A_118 = tpu.matmul %get3A_111, %get3A_116, %dot_general3A_117 {dimension_numbers = #tpu.dot_dimension_numbers<[1], [0], [0], [1], [0, 0, 1, 1], [], []>, transpose_lhs_hint = false} : vector<512x32xf32>, vector<32x512xf32>, vector<512x512xf32> -> vector<512x512xf32>
    %swap3A_119 = arith.constant 0 : index
    %swap3A_120 = arith.constant 7 : index
    %swap3A_121 = arith.constant 0 : index
    %swap3A_122 = vector.load %arg4[%swap3A_119, %swap3A_120, %swap3A_121] : memref<512x8x512xf32, #tpu.memory_space<vmem>>, vector<512x1x512xf32>
    %swap3A_123 = vector.shape_cast %swap3A_122 : vector<512x1x512xf32> to vector<512x512xf32>
    %swap3A_124 = vector.shape_cast %dot_general3A_118 : vector<512x512xf32> to vector<512x1x512xf32>
    tpu.vector_store %arg4[%swap3A_119, %swap3A_120, %swap3A_121], %swap3A_124 {strides = array<i32>} : memref<512x8x512xf32, #tpu.memory_space<vmem>>, vector<512x1x512xf32>,
    return
  }
  func.func @transform_0(%arg0: i32, %arg1: i32) -> (i32, i32) {
    %c0_i32 = arith.constant 0 : i32
    %c0_i32_0 = arith.constant 0 : i32
    %c0_i32_1 = arith.constant 0 : i32
    return %c0_i32, %c0_i32_0 : i32, i32
  }
  func.func @transform_1(%arg0: i32, %arg1: i32) -> (i32, i32, i32) {
    %c0_i32 = arith.constant 0 : i32
    %c0_i32_0 = arith.constant 0 : i32
    return %c0_i32, %arg0, %arg1 : i32, i32, i32
  }
  func.func @transform_2(%arg0: i32, %arg1: i32) -> (i32, i32, i32) {
    %c0_i32 = arith.constant 0 : i32
    %c0_i32_0 = arith.constant 0 : i32
    return %c0_i32, %arg0, %arg1 : i32, i32, i32
  }
}

</mosaic_0001>

<sc_bundles>
// kernel: kernel.5.cloned.1.call-start
scs
__scs_entry_jumppad:
0x0: {  	(pc) =	sbr.rel $0x88, $3  }
0x1: {  	(tag) =	ssettag $0x0;
	lr =	simm.s32 $0x1  }
0x2: {  	[smem:$0x3F9D] =	sst lr;
	_ =	strace $0xD0000000  }
0x3: {  	_ = 	snop  }
0x4: {  	_ = 	snop  }
0x5: {  	_ = 	snop  }
0x6: {  	_ = 	snop  }
0x7: {  	_ = 	snop  }
__scs_overlays_trampoline_lowered:
0x8: {  	[smem:$0x3FAC] =	sst s0  }
0x9: {  	[smem:$0x3FAD] =	sst s1  }
0xa: {  	[smem:$0x3FAE] =	sst s2  }
0xb: {  	[smem:$0x3FAF] =	sst s3  }
0xc: {  	[smem:$0x3FB0] =	sst s4  }
0xd: {  	[smem:$0x3FB1] =	sst s5  }
0xe: {  	[smem:$0x3FB2] =	sst s6  }
0xf: {  	[smem:$0x3FB3] =	sst s7  }
0x10: {  	[smem:$0x3FB4] =	sst s8  }
0x11: {  	[smem:$0x3FB5] =	sst s9;
	s0 =	simm.s32 @!p0 $0x0  }
0x12: {  	s1 =	sld [smem:$0x3F9B];
	s0 =	simm.s32 @p0 $0x1  }
0x13: {  	[smem:$0x3FB6] =	sst s0;
	s0 =	simm.s32 @!p1 $0x0  }
0x14: {  	s2 =	sld [smem:$0x3F9A];
	s0 =	simm.s32 @p1 $0x1  }
0x15: {  	[smem:$0x3FB7] =	sst s0;
	s0 =	simm.s32 @!p2 $0x0  }
0x16: {  	s3 =	sld [smem:$0x3FDB];
	s0 =	simm.s32 @p2 $0x1  }
0x17: {  	s4 =	simm.s32 $0x1BF5;
	[smem:$0x3FB9] =	sst s0  }
0x18: {  	s0 =	sld [smem:$0x3F9C];
	_ =	swait.ge [sflag:s4], $0x0  }
0x19: {  	s7 =	sld [smem:$0x3F9D]  }
0x1a: {  	s8 =	sadd.s32 $0xFFFFE003, lr  }
0x1b: {  	s9 =	sadd.s32 $0xFFFFFEF7, lr;
	s5 =	simm.s32 $0xFFFFFFFF;
	p2 =	slt.u32 s8, $0xFFFFF086  }
0x1c: {  	p1 =	slt.u32 s9, $0xF7A;
	s5 =	simm.s32 @!p2 $0x0  }
0x1d: {  	s5 =	simm.s32 @p1 $0x1;
	p0 =	seq.s32 s7, s2  }
0x1e: {  	s7 =	smul.u32 @!p0 $0xF7A, s2;
	p2 =	seq.s32 @!p0 s5, $0x0  }
0x1f: {  	s9 =	smul.u32 $0xF7A, s1;
	s8 =	simm.s32 @!p0 $0x1BF5;
	p2 =	por !p2, p0  }
0x20: {  	[sflag:s8] =	ssyncset.s32 @!p0 $0xFFFFF086;
	s6 =	sadd.s32 @!p0 s3, s7;
	s7 =	simm.s32 @!p0 $0x108  }
0x21: {  	s3 =	sadd.s32 s3, s9;
	s6 =	sadd.s32 @!p0 $0x88, s6;
	s7 =	simm.s32 @p2 $0x1082  }
0x22: {  	[simem:s7], [sflag:s8] =	dma.local @!p0 [hbm:s6], $0xF7A  }
0x23: {  	s9 =	sor.u32 $0xD0000000, s2;
	s6 =	simm.s32 $0x108;
	_ =	swait.ge @!p0 [sflag:s8], $0x0  }
0x24: {  	s3 =	sadd.s32 $0x88, s3;
	s6 =	simm.s32 @!p1 $0x1082;
	[sflag:s4] =	ssyncset.s32 $0xFFFFF086  }
0x25: {  	[simem:s6], [sflag:s4] =	dma.local [hbm:s3], $0xF7A  }
0x26: {  	[smem:$0x3F9D] =	sst s1;
	(tag) =	ssettag s2;
	_ =	strace s9  }
0x27: {  	s1 =	sld [smem:$0x3FAD]  }
0x28: {  	s2 =	sld [smem:$0x3FAE]  }
0x29: {  	s4 =	sld [smem:$0x3FB0]  }
0x2a: {  	p0 =	seq.s32 s5, $0x0;
	s5 =	sld [smem:$0x3FB1]  }
0x2b: {  	s6 =	sld [smem:$0x3FB2]  }
0x2c: {  	s7 =	sld [smem:$0x3FB3]  }
0x2d: {  	s3 =	simm.s32 $0x108;
	s8 =	sld [smem:$0x3FB4]  }
0x2e: {  	s3 =	simm.s32 @!p0 $0x1082;
	s9 =	sld [smem:$0x3FB5]  }
0x2f: {  	lr =	sadd.s32 s0, s3;
	s0 =	sld [smem:$0x3FAC]  }
0x30: {  	s3 =	sld [smem:$0x3FAF]  }
0x31: {  	[smem:$0x3FB8] =	sst s10  }
0x32: {  	s10 =	sld [smem:$0x3FB6];
	_ =	sdelay $0x3  }
0x33: {  	p0 =	seq.s32 s10, $0x1;
	s10 =	sld [smem:$0x3FB8];
	_ =	sdelay $0x3  }
0x34: {  	[smem:$0x3FB8] =	sst s10  }
0x35: {  	s10 =	sld [smem:$0x3FB7];
	_ =	sdelay $0x3  }
0x36: {  	p1 =	seq.s32 s10, $0x1;
	s10 =	sld [smem:$0x3FB8];
	_ =	sdelay $0x3  }
0x37: {  	[smem:$0x3FB8] =	sst s10  }
0x38: {  	s10 =	sld [smem:$0x3FB9]  }
0x39: {  	_ = 	snop;
	(pc) =	sbr.ind lr, $3  }
0x3a: {  	_ = 	snop  }
0x3b: {  	_ = 	snop  }
0x3c: {  	p2 =	seq.s32 s10, $0x1;
	s10 =	sld [smem:$0x3FB8]  }
0x3d: {  	_ =	shalt  }
0x3e: {  	_ =	shalt  }
0x3f: {  	_ =	shalt  }
0x40: {  	_ =	shalt  }
0x41: {  	_ =	shalt  }
0x42: {  	_ =	shalt  }
0x43: {  	_ =	shalt  }
0x44: {  	_ =	shalt  }
0x45: {  	_ =	shalt  }
0x46: {  	_ =	shalt  }
0x47: {  	_ =	shalt  }
0x48: {  	_ =	shalt  }
0x49: {  	_ =	shalt  }
0x4a: {  	_ =	shalt  }
0x4b: {  	_ =	shalt  }
0x4c: {  	_ =	shalt  }
0x4d: {  	_ =	shalt  }
0x4e: {  	_ =	shalt  }
0x4f: {  	_ =	shalt  }
0x50: {  	_ =	shalt  }
0x51: {  	_ =	shalt  }
0x52: {  	_ =	shalt  }
0x53: {  	_ =	shalt  }
0x54: {  	_ =	shalt  }
0x55: {  	_ =	shalt  }
0x56: {  	_ =	shalt  }
0x57: {  	_ =	shalt  }
0x58: {  	_ =	shalt  }
0x59: {  	_ =	shalt  }
0x5a: {  	_ =	shalt  }
0x5b: {  	_ =	shalt  }
0x5c: {  	_ =	shalt  }
0x5d: {  	_ =	shalt  }
0x5e: {  	_ =	shalt  }
0x5f: {  	_ =	shalt  }
0x60: {  	_ =	shalt  }
0x61: {  	_ =	shalt  }
0x62: {  	_ =	shalt  }
0x63: {  	_ =	shalt  }
0x64: {  	_ =	shalt  }
0x65: {  	_ =	shalt  }
0x66: {  	_ =	shalt  }
0x67: {  	_ =	shalt  }
0x68: {  	_ =	shalt  }
0x69: {  	_ =	shalt  }
0x6a: {  	_ =	shalt  }
0x6b: {  	_ =	shalt  }
0x6c: {  	_ =	shalt  }
0x6d: {  	_ =	shalt  }
0x6e: {  	_ =	shalt  }
0x6f: {  	_ =	shalt  }
0x70: {  	_ =	shalt  }
0x71: {  	_ =	shalt  }
0x72: {  	_ =	shalt  }
0x73: {  	_ =	shalt  }
0x74: {  	_ =	shalt  }
0x75: {  	_ =	shalt  }
0x76: {  	_ =	shalt  }
0x77: {  	_ =	shalt  }
0x78: {  	_ =	shalt  }
0x79: {  	_ =	shalt  }
0x7a: {  	_ =	shalt  }
0x7b: {  	_ =	shalt  }
0x7c: {  	_ =	shalt  }
0x7d: {  	_ =	shalt  }
0x7e: {  	_ =	shalt  }
0x7f: {  	_ =	shalt  }
0x80: {  	_ =	shalt  }
0x81: {  	_ =	shalt  }
0x82: {  	_ =	shalt  }
0x83: {  	_ =	shalt  }
0x84: {  	_ =	shalt  }
0x85: {  	_ =	shalt  }
0x86: {  	_ =	shalt  }
0x87: {  	_ =	shalt  }
.Lfunc_end0:
.L_simem_size_0:
called_computation_lowered:
.L_overlay_start_0:
0x88: {  	s2 =	sld [smem:$0x3FD9]  }
0x89: {  	s3 =	sld [smem:$0x3FFE];
	_ =	sdelay $0x1  }
0x8a: {  	s1 =	srdreg.scid  }
0x8b: {  	s0 =	sand.u32 $0x1, s1  }
0x8c: {  	s15 =	sshll.u32 s0, $0xA;
	s2 =	sadd.s32 s3, s2  }
0x8d: {  	s2 =	sadd.s32 s2, s15  }
0x8e: {  	[smem:$0x3FC4] =	sst s2  }
0x8f: {  	_ = 	snop  }
0x90: {  	s2 =	sld [smem:$0x3FD0];
	_ =	sdelay $0x1  }
0x91: {  	s16 =	sld [smem:$0x3FC8]  }
0x92: {  	s5 =	simm.s32 $0xA;
	s6 =	simm.s32 $0x10;
	s4 =	sld [smem:$0x3FC7]  }
0x93: {  	[smem:s6], [sflag:s5] =	dma.local [hbm:s2], $0x1  }
0x94: {  	_ =	swait.eq [sflag:s5], $0x1  }
0x95: {  	[sflag:s5] =	ssyncset.done $0x0  }
0x96: {  	[sflag:s5] =	ssyncadd.s32 $0xFFFFFFFF  }
0x97: {  	s17 =	sld [smem:$0x10];
	(tm) =	ssettm $0x1  }
0x98: {  	s18 =	sld [smem:$0x3FFB];
	_ =	sdelay $0x3  }
0x99: {  	_ =	strace s18  }
0x9a: {  	s5 =	sld [smem:$0x3FFC];
	_ =	sdelay $0x3  }
0x9b: {  	_ =	strace s5  }
0x9c: {  	s5 =	sld [smem:$0x3FFD];
	_ =	sdelay $0x3  }
0x9d: {  	_ =	strace s5  }
0x9e: {  	_ =	strace $0x8FFFFFFF  }
0x9f: {  	s19 =	sld [smem:$0x3FDB];
	_ =	sdelay $0x1  }
0xa0: {  	s20 =	simm.s32 $_scs_section_size  }
0xa1: {  	s7 =	simm.s32 $_size__tile_overlayer_lowered;
	s8 =	simm.s32 $_tile_overlayer_lowered  }
0xa2: {  	s23 =	simm.s32 $0x1BFF;
	s22 =	sshll.u32 s8, $0x1;
	s5 =	sadd.s32 s20, s19  }
0xa3: {  	s9 =	simm.s32 $0x0;
	s21 =	sshll.u32 s7, $0x1;
	s7 =	sadd.s32 s22, s5  }
0xa4: {  	[timem:s9], [sflag:s23] =	dma.local [hbm:s7], s21  }
0xa5: {  	_ =	swait.ge [sflag:s23], s21  }
0xa6: {  	s6 =	ssub.s32 $0x0, s21;
	[sflag:s23] =	ssyncset.done $0x0  }
0xa7: {  	[sflag:s23] =	ssyncadd.s32 s6;
	_ =	sdelay $0x1  }
0xa8: {  	s24 =	simm.s32 $0x1B8B  }
0xa9: {  	_ =	swait.ge [sflag:s24], $0x1  }
0xaa: {  	[sflag:s24] =	ssyncset.done $0x0  }
0xab: {  	s25 =	simm.s32 $0x1B8E;
	[sflag:s24] =	ssyncadd.s32 $0xFFFFFFFF  }
0xac: {  	s26 =	simm.s32 $execute0_lowered;
	[smem:$0x3FD2] =	sst s25  }
0xad: {  	s6 =	sshll.u32 s26, $0x1;
	_ =	strace $0x80000046;
	[dreg:$0x1] =	wrdreg $0xFFFFFFFF  }
0xae: {  	s28 =	simm.s32 $_size_execute0_lowered;
	s5 =	sadd.s32 s5, s6;
	[dreg:$0x0] =	wrdreg $0x0  }
0xaf: {  	s6 =	sshll.u32 s28, $0x1;
	[dreg:$0x2] =	wrdreg s5  }
0xb0: {  	[dreg:$0x3] =	wrdreg s6  }
0xb1: {  	[dreg:$0x4] =	wrdreg $0xC0  }
0xb2: {  	_ =	task [dreg:s9], $0x5FFFF  }
0xb3: {  	[dreg:$0x1] =	wrdreg $0xFFFFFFFF  }
0xb4: {  	[dreg:$0x0] =	wrdreg $0x60  }
0xb5: {  	[dreg:$0x2] =	wrdreg s16  }
0xb6: {  	[dreg:$0x3] =	wrdreg s4  }
0xb7: {  	[dreg:$0x4] =	wrdreg s17  }
0xb8: {  	[dreg:$0x5] =	wrdreg $0x9  }
0xb9: {  	_ =	task.clear_ibuf [dreg:s9], $0x6FFFF;
	_ =	strace $0x90000046  }
0xba: {  	s29 =	simm.s32 $0x9;
	_ =	strace $0x80000048  }
0xbb: {  	_ =	swait.ge [sflag:s29], $0x1  }
0xbc: {  	[sflag:s29] =	ssyncadd.s32 $0xFFFFFFFF  }
0xbd: {  	_ =	strace $0x90000048  }
0xbe: {  	_ =	sfence  }
0xbf: {  	s30 =	sld [smem:$0x0];
	_ =	sdelay $0x2  }
0xc0: {  	s31 =	sshll.u32 s1, $0xD;
	s1 =	sshrl.u32 s1, $0x2  }
0xc1: {  	s3 =	sand.u32 $0x4000, s31;
	s1 =	sadd.s32 s1, s30  }
0xc2: {  	s0 =	sor.u32 s3, s0;
	s1 =	sshll.u32 s1, $0x11  }
0xc3: {  	s0 =	sor.u32 s1, s0  }
0xc4: {  	s0 =	sadd.s32 $0x8F2B, s0  }
0xc5: {  	[sflag:s0] =	ssyncadd.remote.s32 $0x1  }
0xc6: {  	_ =	sfence.sel $0xFFFF  }
0xc7: {  	[dreg:$0x0] =	wrdreg $0xFFFFFFFF;
	(pc) =	sbr.abs _section_cstart, $3  }
0xc8: {  	[dreg:$0x1] =	wrdreg $0xFFFFFFFF  }
0xc9: {  	_ =	task.clear_ibuf [dreg:s9], $0x2FFFF;
	_ =	strace $0x9FFFFFFF  }
0xca: {  	(tm) =	ssettm $0x7FFFFFFF  }
0xcb: {  	_ =	shalt  }
tec
execute0_lowered:
.L_overlay_start_1:
0x0: {  	(tag) =	ssettag $0x1  }
0x1: {  	s0 =	srdreg.scid  }
0x2: {  	s1 =	stileid.u32;
	s3 =	rddreg [dreg:$0x1]  }
0x3: {  	s7 =	simm.s32 $0x0;
	s0 =	sand.u32 $0x1, s0;
	s1 =	sshll.u32 s1, $0x5  }
0x4: {  	[smem:$0x7FF] =	sst s7;
	s18 =	sadd.s32 $0x10, s3;
	s22 =	sadd.s32 $0x20, s3  }
0x5: {  	s9 =	sadd.s32 $0x30, s3;
	s2 =	sshll.u32 s0, $0x4;
	s0 =	ssub.s32 $0x2, s0  }
0x6: {  	s1 =	sor.u32 s2, s1;
	s2 =	rddreg [dreg:$0x2];
	s5 =	sshrl.u32 s0, $0x1  }
0x7: {  	s4 =	sshrl.u32 s1, $0x3;
	s5 =	ssub.s32 s0, s5;
	s0 =	sshll.u32 s1, $0x9  }
0x8: {  	s7 =	sadd.s32 $0x10, s2;
	s6 =	smul.u32 $0x18700, s4;
	s20 =	sadd.s32 s2, s0  }
0x9: {  	s24 =	sadd.s32 $0x40, s3;
	s8 =	sadd.s32 s0, s7;
	[dreg:$0x5] =	wrdreg s20  }
0xa: {  	s25 =	sadd.s32 $0x50, s3;
	[dreg:$0x7] =	wrdreg s8;
	s17 =	sadd.s32 s3, s6  }
0xb: {  	s12 =	sadd.s32 $0x60, s3;
	s21 =	sadd.s32 s6, s18;
	[dreg:$0x4] =	wrdreg s17  }
0xc: {  	s19 =	sadd.s32 $0x70, s3;
	s10 =	sadd.s32 s6, s22;
	[dreg:$0x6] =	wrdreg s21  }
0xd: {  	s4 =	sor.u32 $0x1, s4;
	s23 =	sadd.s32 s6, s9;
	[dreg:$0x8] =	wrdreg s10  }
0xe: {  	s20 =	smul.u32 $0x18700, s4;
	s11 =	sadd.s32 s6, s24;
	[dreg:$0x9] =	wrdreg s23  }
0xf: {  	s8 =	sadd.s32 $0x30, s2;
	s13 =	sadd.s32 s6, s25;
	[dreg:$0xa] =	wrdreg s11  }
0x10: {  	s4 =	sshll.u32 s4, $0xC;
	s26 =	sadd.s32 s6, s12;
	[dreg:$0xb] =	wrdreg s13  }
0x11: {  	s6 =	sadd.s32 s6, s19;
	s28 =	sadd.s32 s4, s7;
	[dreg:$0xc] =	wrdreg s26  }
0x12: {  	s31 =	sadd.s32 s4, s8;
	s7 =	simm.s32 $0x1000;
	[dreg:$0xd] =	wrdreg s6  }
0x13: {  	s3 =	sadd.s32 s3, s20;
	s13 =	sadd.s32 s20, s18;
	s14 =	sadd.s32 s20, s22  }
0x14: {  	s15 =	sadd.s32 s20, s9;
	s16 =	sadd.s32 s20, s24;
	s17 =	sadd.s32 s20, s25  }
0x15: {  	s18 =	sadd.s32 s20, s12;
	s19 =	sadd.s32 s20, s19;
	s6 =	sadd.s32 $0x20, s2  }
0x16: {  	s9 =	sadd.s32 $0x40, s2;
	s21 =	sadd.s32 s0, s8;
	s10 =	sadd.s32 $0x50, s2  }
0x17: {  	s11 =	sadd.s32 $0x60, s2;
	s12 =	sadd.s32 $0x70, s2;
	s26 =	sadd.s32 s2, s4  }
0x18: {  	s8 =	simm.s32 $0x19700;
	[dreg:$0xe] =	wrdreg s3;
	s20 =	sadd.s32 s0, s6  }
0x19: {  	s22 =	sadd.s32 s0, s9;
	s23 =	sadd.s32 s0, s10;
	s24 =	sadd.s32 s0, s11  }
0x1a: {  	s25 =	sadd.s32 s0, s12;
	s30 =	sadd.s32 s4, s6;
	s29 =	sadd.s32 s4, s9  }
0x1b: {  	s1 =	sadd.s32 s4, s10;
	s0 =	sadd.s32 s4, s11;
	s2 =	sadd.s32 s4, s12  }
0x1c: {  	s3 =	smax.u32 s5, $0x1;
	s4 =	simm.s32 $0x1;
	s5 =	simm.s32 $0x80  }
0x1d: {  	s6 =	simm.s32 $0x400;
	s9 =	simm.s32 $0x0;
	_ =	strace $0x80000047  }
.LBB2_1:
0x1e: {  	s10 =	simm.s32 $0x0;
	s11 =	rddreg [dreg:$0x0]  }
0x1f: {  	[tilespmem:s10], [sflag:$0x1] =	stream.linear.gather [hbm4b:s11+s10], $0x1000, $0x38;
	[tilespmem:$0x1A700] =	vst v63  }
0x20: {  	_ =	swait.ge [sflag:s4], $0x1000  }
0x21: {  	[sflag:s4] =	ssyncset.done $0x0  }
0x22: {  	s12 =	rddreg [dreg:$0x4];
	[sflag:s4] =	ssyncadd.s32 $0xFFFFF000  }
0x23: {  	[tilespmem:s7], [sflag:$0x1] =	stream.strided.gather [hbm4b:s12+s5], $0x18700, s6, s5, $0x38;
	[tilespmem:$0x1A700] =	vst v63  }
0x24: {  	_ =	swait.ge [sflag:s4], $0x18700  }
0x25: {  	[sflag:s4] =	ssyncset.done $0x0  }
0x26: {  	s10 =	simm.s32 $0x0;
	[sflag:s4] =	ssyncadd.s32 $0xFFFE7900  }
0x27: {  	v0 =	vld [tilespmem:s10+$0x0];
	_ =	sdelay $0x7  }
0x28: {  	s11 =	simm.s32 $0x10;
	s12 =	simm.s32 $0x80;
	v0 =	vld.idx.msk [tilespmem:v0+s7+$0x0], $0xffff  }
.LBB2_2:
0x29: {  	p0 =	sne.s32 s12, $0x3FC0;
	v1 =	vld [tilespmem:s11+$0x0];
	_ =	sdelay $0x3  }
.Ltmp0:
0x2a: {  	(pc) =	sbr.rel @p0 .LBB2_2-.Ltmp0, $2  }
0x2b: {  	[tilespmem:s10+$0x19700] =	vst v0;
	s10 =	smov.u32 s11;
	_ =	sdelay $0x2  }
0x2c: {  	s11 =	sshra.s32 s12, $0x2;
	s12 =	sadd.s32 $0x40, s12;
	v0 =	vld.idx.msk [tilespmem:v1+s7+$0x0], $0xffff  }
0x2d: {  	v1 =	vld [tilespmem:s11+$0x0];
	_ =	sdelay $0x6  }
0x2e: {  	[tilespmem:s10+$0x19700] =	vst v0  }
0x2f: {  	v0 =	vld.idx.msk [tilespmem:v1+s7+$0x0], $0xffff;
	_ =	sdelay $0x4  }
0x30: {  	[tilespmem:s11+$0x19700] =	vst v0;
	s11 =	rddreg [dreg:$0x5]  }
0x31: {  	[hbm4b:s11+s5] =	stream.strided.scatter [tilespmem:s8], [sflag:$0x1], $0x1000, s6, s5, $0x38;
	[tilespmem:$0x1A700] =	vst v63  }
0x32: {  	_ =	swait.ge [sflag:s4], $0x1000  }
0x33: {  	[sflag:s4] =	ssyncset.done $0x0  }
0x34: {  	s12 =	rddreg [dreg:$0x6];
	[sflag:s4] =	ssyncadd.s32 $0xFFFFF000  }
0x35: {  	[tilespmem:s7], [sflag:$0x1] =	stream.strided.gather [hbm4b:s12+s5], $0x18700, s6, s5, $0x38;
	[tilespmem:$0x1A700] =	vst v63  }
0x36: {  	_ =	swait.ge [sflag:s4], $0x18700  }
0x37: {  	[sflag:s4] =	ssyncset.done $0x0  }
0x38: {  	s10 =	simm.s32 $0x0;
	[sflag:s4] =	ssyncadd.s32 $0xFFFE7900  }
0x39: {  	v0 =	vld [tilespmem:s10+$0x0];
	_ =	sdelay $0x7  }
0x3a: {  	s11 =	simm.s32 $0x10;
	s12 =	simm.s32 $0x80;
	v0 =	vld.idx.msk [tilespmem:v0+s7+$0x0], $0xffff  }
.LBB2_4:
0x3b: {  	p0 =	sne.s32 s12, $0x3FC0;
	v1 =	vld [tilespmem:s11+$0x0];
	_ =	sdelay $0x3  }
.Ltmp1:
0x3c: {  	(pc) =	sbr.rel @p0 .LBB2_4-.Ltmp1, $2  }
0x3d: {  	[tilespmem:s10+$0x19700] =	vst v0;
	s10 =	smov.u32 s11;
	_ =	sdelay $0x2  }
0x3e: {  	s11 =	sshra.s32 s12, $0x2;
	s12 =	sadd.s32 $0x40, s12;
	v0 =	vld.idx.msk [tilespmem:v1+s7+$0x0], $0xffff  }
0x3f: {  	v1 =	vld [tilespmem:s11+$0x0];
	_ =	sdelay $0x6  }
0x40: {  	[tilespmem:s10+$0x19700] =	vst v0  }
0x41: {  	v0 =	vld.idx.msk [tilespmem:v1+s7+$0x0], $0xffff;
	_ =	sdelay $0x4  }
0x42: {  	[tilespmem:s11+$0x19700] =	vst v0;
	s11 =	rddreg [dreg:$0x7]  }
0x43: {  	[hbm4b:s11+s5] =	stream.strided.scatter [tilespmem:s8], [sflag:$0x1], $0x1000, s6, s5, $0x38;
	[tilespmem:$0x1A700] =	vst v63  }
0x44: {  	_ =	swait.ge [sflag:s4], $0x1000  }
0x45: {  	[sflag:s4] =	ssyncset.done $0x0  }
0x46: {  	s12 =	rddreg [dreg:$0x8];
	[sflag:s4] =	ssyncadd.s32 $0xFFFFF000  }
0x47: {  	[tilespmem:s7], [sflag:$0x1] =	stream.strided.gather [hbm4b:s12+s5], $0x18700, s6, s5, $0x38;
	[tilespmem:$0x1A700] =	vst v63  }
0x48: {  	_ =	swait.ge [sflag:s4], $0x18700  }
0x49: {  	[sflag:s4] =	ssyncset.done $0x0  }
0x4a: {  	s10 =	simm.s32 $0x0;
	[sflag:s4] =	ssyncadd.s32 $0xFFFE7900  }
0x4b: {  	v0 =	vld [tilespmem:s10+$0x0];
	_ =	sdelay $0x7  }
0x4c: {  	s11 =	simm.s32 $0x10;
	s12 =	simm.s32 $0x80;
	v0 =	vld.idx.msk [tilespmem:v0+s7+$0x0], $0xffff  }
.LBB2_6:
0x4d: {  	p0 =	sne.s32 s12, $0x3FC0;
	v1 =	vld [tilespmem:s11+$0x0];
	_ =	sdelay $0x3  }
.Ltmp2:
0x4e: {  	(pc) =	sbr.rel @p0 .LBB2_6-.Ltmp2, $2  }
0x4f: {  	[tilespmem:s10+$0x19700] =	vst v0;
	s10 =	smov.u32 s11;
	_ =	sdelay $0x2  }
0x50: {  	s11 =	sshra.s32 s12, $0x2;
	s12 =	sadd.s32 $0x40, s12;
	v0 =	vld.idx.msk [tilespmem:v1+s7+$0x0], $0xffff  }
0x51: {  	v1 =	vld [tilespmem:s11+$0x0];
	_ =	sdelay $0x6  }
0x52: {  	[tilespmem:s10+$0x19700] =	vst v0  }
0x53: {  	v0 =	vld.idx.msk [tilespmem:v1+s7+$0x0], $0xffff;
	_ =	sdelay $0x4  }
0x54: {  	[tilespmem:s11+$0x19700] =	vst v0  }
0x55: {  	[hbm4b:s20+s5] =	stream.strided.scatter [tilespmem:s8], [sflag:$0x1], $0x1000, s6, s5, $0x38;
	[tilespmem:$0x1A700] =	vst v63  }
0x56: {  	_ =	swait.ge [sflag:s4], $0x1000  }
0x57: {  	[sflag:s4] =	ssyncset.done $0x0  }
0x58: {  	s12 =	rddreg [dreg:$0x9];
	[sflag:s4] =	ssyncadd.s32 $0xFFFFF000  }
0x59: {  	[tilespmem:s7], [sflag:$0x1] =	stream.strided.gather [hbm4b:s12+s5], $0x18700, s6, s5, $0x38;
	[tilespmem:$0x1A700] =	vst v63  }
0x5a: {  	_ =	swait.ge [sflag:s4], $0x18700  }
0x5b: {  	[sflag:s4] =	ssyncset.done $0x0  }
0x5c: {  	s10 =	simm.s32 $0x0;
	[sflag:s4] =	ssyncadd.s32 $0xFFFE7900  }
0x5d: {  	v0 =	vld [tilespmem:s10+$0x0];
	_ =	sdelay $0x7  }
0x5e: {  	s11 =	simm.s32 $0x10;
	s12 =	simm.s32 $0x80;
	v0 =	vld.idx.msk [tilespmem:v0+s7+$0x0], $0xffff  }
.LBB2_8:
0x5f: {  	p0 =	sne.s32 s12, $0x3FC0;
	v1 =	vld [tilespmem:s11+$0x0];
	_ =	sdelay $0x3  }
.Ltmp3:
0x60: {  	(pc) =	sbr.rel @p0 .LBB2_8-.Ltmp3, $2  }
0x61: {  	[tilespmem:s10+$0x19700] =	vst v0;
	s10 =	smov.u32 s11;
	_ =	sdelay $0x2  }
0x62: {  	s11 =	sshra.s32 s12, $0x2;
	s12 =	sadd.s32 $0x40, s12;
	v0 =	vld.idx.msk [tilespmem:v1+s7+$0x0], $0xffff  }
0x63: {  	v1 =	vld [tilespmem:s11+$0x0];
	_ =	sdelay $0x6  }
0x64: {  	[tilespmem:s10+$0x19700] =	vst v0  }
0x65: {  	v0 =	vld.idx.msk [tilespmem:v1+s7+$0x0], $0xffff;
	_ =	sdelay $0x4  }
0x66: {  	[tilespmem:s11+$0x19700] =	vst v0  }
0x67: {  	[hbm4b:s21+s5] =	stream.strided.scatter [tilespmem:s8], [sflag:$0x1], $0x1000, s6, s5, $0x38;
	[tilespmem:$0x1A700] =	vst v63  }
0x68: {  	_ =	swait.ge [sflag:s4], $0x1000  }
0x69: {  	[sflag:s4] =	ssyncset.done $0x0  }
0x6a: {  	s12 =	rddreg [dreg:$0xa];
	[sflag:s4] =	ssyncadd.s32 $0xFFFFF000  }
0x6b: {  	[tilespmem:s7], [sflag:$0x1] =	stream.strided.gather [hbm4b:s12+s5], $0x18700, s6, s5, $0x38;
	[tilespmem:$0x1A700] =	vst v63  }
0x6c: {  	_ =	swait.ge [sflag:s4], $0x18700  }
0x6d: {  	[sflag:s4] =	ssyncset.done $0x0  }
0x6e: {  	s10 =	simm.s32 $0x0;
	[sflag:s4] =	ssyncadd.s32 $0xFFFE7900  }
0x6f: {  	v0 =	vld [tilespmem:s10+$0x0];
	_ =	sdelay $0x7  }
0x70: {  	s11 =	simm.s32 $0x10;
	s12 =	simm.s32 $0x80;
	v0 =	vld.idx.msk [tilespmem:v0+s7+$0x0], $0xffff  }
.LBB2_10:
0x71: {  	p0 =	sne.s32 s12, $0x3FC0;
	v1 =	vld [tilespmem:s11+$0x0];
	_ =	sdelay $0x3  }
.Ltmp4:
0x72: {  	(pc) =	sbr.rel @p0 .LBB2_10-.Ltmp4, $2  }
0x73: {  	[tilespmem:s10+$0x19700] =	vst v0;
	s10 =	smov.u32 s11;
	_ =	sdelay $0x2  }
0x74: {  	s11 =	sshra.s32 s12, $0x2;
	s12 =	sadd.s32 $0x40, s12;
	v0 =	vld.idx.msk [tilespmem:v1+s7+$0x0], $0xffff  }
0x75: {  	v1 =	vld [tilespmem:s11+$0x0];
	_ =	sdelay $0x6  }
0x76: {  	[tilespmem:s10+$0x19700] =	vst v0  }
0x77: {  	v0 =	vld.idx.msk [tilespmem:v1+s7+$0x0], $0xffff;
	_ =	sdelay $0x4  }
0x78: {  	[tilespmem:s11+$0x19700] =	vst v0  }
0x79: {  	[hbm4b:s22+s5] =	stream.strided.scatter [tilespmem:s8], [sflag:$0x1], $0x1000, s6, s5, $0x38;
	[tilespmem:$0x1A700] =	vst v63  }
0x7a: {  	_ =	swait.ge [sflag:s4], $0x1000  }
0x7b: {  	[sflag:s4] =	ssyncset.done $0x0  }
0x7c: {  	s12 =	rddreg [dreg:$0xb];
	[sflag:s4] =	ssyncadd.s32 $0xFFFFF000  }
0x7d: {  	[tilespmem:s7], [sflag:$0x1] =	stream.strided.gather [hbm4b:s12+s5], $0x18700, s6, s5, $0x38;
	[tilespmem:$0x1A700] =	vst v63  }
0x7e: {  	_ =	swait.ge [sflag:s4], $0x18700  }
0x7f: {  	[sflag:s4] =	ssyncset.done $0x0  }
0x80: {  	s10 =	simm.s32 $0x0;
	[sflag:s4] =	ssyncadd.s32 $0xFFFE7900  }
0x81: {  	v0 =	vld [tilespmem:s10+$0x0];
	_ =	sdelay $0x7  }
0x82: {  	s11 =	simm.s32 $0x10;
	s12 =	simm.s32 $0x80;
	v0 =	vld.idx.msk [tilespmem:v0+s7+$0x0], $0xffff  }
.LBB2_12:
0x83: {  	p0 =	sne.s32 s12, $0x3FC0;
	v1 =	vld [tilespmem:s11+$0x0];
	_ =	sdelay $0x3  }
.Ltmp5:
0x84: {  	(pc) =	sbr.rel @p0 .LBB2_12-.Ltmp5, $2  }
0x85: {  	[tilespmem:s10+$0x19700] =	vst v0;
	s10 =	smov.u32 s11;
	_ =	sdelay $0x2  }
0x86: {  	s11 =	sshra.s32 s12, $0x2;
	s12 =	sadd.s32 $0x40, s12;
	v0 =	vld.idx.msk [tilespmem:v1+s7+$0x0], $0xffff  }
0x87: {  	v1 =	vld [tilespmem:s11+$0x0];
	_ =	sdelay $0x6  }
0x88: {  	[tilespmem:s10+$0x19700] =	vst v0  }
0x89: {  	v0 =	vld.idx.msk [tilespmem:v1+s7+$0x0], $0xffff;
	_ =	sdelay $0x4  }
0x8a: {  	[tilespmem:s11+$0x19700] =	vst v0  }
0x8b: {  	[hbm4b:s23+s5] =	stream.strided.scatter [tilespmem:s8], [sflag:$0x1], $0x1000, s6, s5, $0x38;
	[tilespmem:$0x1A700] =	vst v63  }
0x8c: {  	_ =	swait.ge [sflag:s4], $0x1000  }
0x8d: {  	[sflag:s4] =	ssyncset.done $0x0  }
0x8e: {  	s12 =	rddreg [dreg:$0xc];
	[sflag:s4] =	ssyncadd.s32 $0xFFFFF000  }
0x8f: {  	[tilespmem:s7], [sflag:$0x1] =	stream.strided.gather [hbm4b:s12+s5], $0x18700, s6, s5, $0x38;
	[tilespmem:$0x1A700] =	vst v63  }
0x90: {  	_ =	swait.ge [sflag:s4], $0x18700  }
0x91: {  	[sflag:s4] =	ssyncset.done $0x0  }
0x92: {  	s10 =	simm.s32 $0x0;
	[sflag:s4] =	ssyncadd.s32 $0xFFFE7900  }
0x93: {  	v0 =	vld [tilespmem:s10+$0x0];
	_ =	sdelay $0x7  }
0x94: {  	s11 =	simm.s32 $0x10;
	s12 =	simm.s32 $0x80;
	v0 =	vld.idx.msk [tilespmem:v0+s7+$0x0], $0xffff  }
.LBB2_14:
0x95: {  	p0 =	sne.s32 s12, $0x3FC0;
	v1 =	vld [tilespmem:s11+$0x0];
	_ =	sdelay $0x3  }
.Ltmp6:
0x96: {  	(pc) =	sbr.rel @p0 .LBB2_14-.Ltmp6, $2  }
0x97: {  	[tilespmem:s10+$0x19700] =	vst v0;
	s10 =	smov.u32 s11;
	_ =	sdelay $0x2  }
0x98: {  	s11 =	sshra.s32 s12, $0x2;
	s12 =	sadd.s32 $0x40, s12;
	v0 =	vld.idx.msk [tilespmem:v1+s7+$0x0], $0xffff  }
0x99: {  	v1 =	vld [tilespmem:s11+$0x0];
	_ =	sdelay $0x6  }
0x9a: {  	[tilespmem:s10+$0x19700] =	vst v0  }
0x9b: {  	v0 =	vld.idx.msk [tilespmem:v1+s7+$0x0], $0xffff;
	_ =	sdelay $0x4  }
0x9c: {  	[tilespmem:s11+$0x19700] =	vst v0  }
0x9d: {  	[hbm4b:s24+s5] =	stream.strided.scatter [tilespmem:s8], [sflag:$0x1], $0x1000, s6, s5, $0x38;
	[tilespmem:$0x1A700] =	vst v63  }
0x9e: {  	_ =	swait.ge [sflag:s4], $0x1000  }
0x9f: {  	[sflag:s4] =	ssyncset.done $0x0  }
0xa0: {  	s12 =	rddreg [dreg:$0xd];
	[sflag:s4] =	ssyncadd.s32 $0xFFFFF000  }
0xa1: {  	[tilespmem:s7], [sflag:$0x1] =	stream.strided.gather [hbm4b:s12+s5], $0x18700, s6, s5, $0x38;
	[tilespmem:$0x1A700] =	vst v63  }
0xa2: {  	_ =	swait.ge [sflag:s4], $0x18700  }
0xa3: {  	[sflag:s4] =	ssyncset.done $0x0  }
0xa4: {  	s10 =	simm.s32 $0x0;
	[sflag:s4] =	ssyncadd.s32 $0xFFFE7900  }
0xa5: {  	v0 =	vld [tilespmem:s10+$0x0];
	_ =	sdelay $0x7  }
0xa6: {  	s11 =	simm.s32 $0x10;
	s12 =	simm.s32 $0x80;
	v0 =	vld.idx.msk [tilespmem:v0+s7+$0x0], $0xffff  }
.LBB2_16:
0xa7: {  	p0 =	sne.s32 s12, $0x3FC0;
	v1 =	vld [tilespmem:s11+$0x0];
	_ =	sdelay $0x3  }
.Ltmp7:
0xa8: {  	(pc) =	sbr.rel @p0 .LBB2_16-.Ltmp7, $2  }
0xa9: {  	[tilespmem:s10+$0x19700] =	vst v0;
	s10 =	smov.u32 s11;
	_ =	sdelay $0x2  }
0xaa: {  	s11 =	sshra.s32 s12, $0x2;
	s12 =	sadd.s32 $0x40, s12;
	v0 =	vld.idx.msk [tilespmem:v1+s7+$0x0], $0xffff  }
0xab: {  	v1 =	vld [tilespmem:s11+$0x0];
	_ =	sdelay $0x6  }
0xac: {  	[tilespmem:s10+$0x19700] =	vst v0  }
0xad: {  	v0 =	vld.idx.msk [tilespmem:v1+s7+$0x0], $0xffff;
	_ =	sdelay $0x4  }
0xae: {  	[tilespmem:s11+$0x19700] =	vst v0  }
0xaf: {  	[hbm4b:s25+s5] =	stream.strided.scatter [tilespmem:s8], [sflag:$0x1], $0x1000, s6, s5, $0x38;
	[tilespmem:$0x1A700] =	vst v63  }
0xb0: {  	_ =	swait.ge [sflag:s4], $0x1000  }
0xb1: {  	[sflag:s4] =	ssyncset.done $0x0  }
0xb2: {  	s12 =	rddreg [dreg:$0xe];
	[sflag:s4] =	ssyncadd.s32 $0xFFFFF000  }
0xb3: {  	[tilespmem:s7], [sflag:$0x1] =	stream.strided.gather [hbm4b:s12+s5], $0x18700, s6, s5, $0x38;
	[tilespmem:$0x1A700] =	vst v63  }
0xb4: {  	_ =	swait.ge [sflag:s4], $0x18700  }
0xb5: {  	[sflag:s4] =	ssyncset.done $0x0  }
0xb6: {  	s10 =	simm.s32 $0x0;
	[sflag:s4] =	ssyncadd.s32 $0xFFFE7900  }
0xb7: {  	v0 =	vld [tilespmem:s10+$0x0];
	_ =	sdelay $0x7  }
0xb8: {  	s11 =	simm.s32 $0x10;
	s12 =	simm.s32 $0x80;
	v0 =	vld.idx.msk [tilespmem:v0+s7+$0x0], $0xffff  }
.LBB2_18:
0xb9: {  	p0 =	sne.s32 s12, $0x3FC0;
	v1 =	vld [tilespmem:s11+$0x0];
	_ =	sdelay $0x3  }
.Ltmp8:
0xba: {  	(pc) =	sbr.rel @p0 .LBB2_18-.Ltmp8, $2  }
0xbb: {  	[tilespmem:s10+$0x19700] =	vst v0;
	s10 =	smov.u32 s11;
	_ =	sdelay $0x2  }
0xbc: {  	s11 =	sshra.s32 s12, $0x2;
	s12 =	sadd.s32 $0x40, s12;
	v0 =	vld.idx.msk [tilespmem:v1+s7+$0x0], $0xffff  }
0xbd: {  	v1 =	vld [tilespmem:s11+$0x0];
	_ =	sdelay $0x6  }
0xbe: {  	[tilespmem:s10+$0x19700] =	vst v0  }
0xbf: {  	v0 =	vld.idx.msk [tilespmem:v1+s7+$0x0], $0xffff;
	_ =	sdelay $0x4  }
0xc0: {  	[tilespmem:s11+$0x19700] =	vst v0  }
0xc1: {  	[hbm4b:s26+s5] =	stream.strided.scatter [tilespmem:s8], [sflag:$0x1], $0x1000, s6, s5, $0x38;
	[tilespmem:$0x1A700] =	vst v63  }
0xc2: {  	_ =	swait.ge [sflag:s4], $0x1000  }
0xc3: {  	[sflag:s4] =	ssyncset.done $0x0  }
0xc4: {  	[sflag:s4] =	ssyncadd.s32 $0xFFFFF000  }
0xc5: {  	[tilespmem:s7], [sflag:$0x1] =	stream.strided.gather [hbm4b:s13+s5], $0x18700, s6, s5, $0x38;
	[tilespmem:$0x1A700] =	vst v63  }
0xc6: {  	_ =	swait.ge [sflag:s4], $0x18700  }
0xc7: {  	[sflag:s4] =	ssyncset.done $0x0  }
0xc8: {  	s10 =	simm.s32 $0x0;
	[sflag:s4] =	ssyncadd.s32 $0xFFFE7900  }
0xc9: {  	v0 =	vld [tilespmem:s10+$0x0];
	_ =	sdelay $0x7  }
0xca: {  	s12 =	simm.s32 $0x80;
	s11 =	simm.s32 $0x10;
	v0 =	vld.idx.msk [tilespmem:v0+s7+$0x0], $0xffff  }
.LBB2_20:
0xcb: {  	p0 =	sne.s32 s12, $0x3FC0;
	v1 =	vld [tilespmem:s11+$0x0];
	_ =	sdelay $0x3  }
.Ltmp9:
0xcc: {  	(pc) =	sbr.rel @p0 .LBB2_20-.Ltmp9, $2  }
0xcd: {  	[tilespmem:s10+$0x19700] =	vst v0;
	s10 =	smov.u32 s11;
	_ =	sdelay $0x2  }
0xce: {  	s11 =	sshra.s32 s12, $0x2;
	s12 =	sadd.s32 $0x40, s12;
	v0 =	vld.idx.msk [tilespmem:v1+s7+$0x0], $0xffff  }
0xcf: {  	v1 =	vld [tilespmem:s11+$0x0];
	_ =	sdelay $0x6  }
0xd0: {  	[tilespmem:s10+$0x19700] =	vst v0  }
0xd1: {  	v0 =	vld.idx.msk [tilespmem:v1+s7+$0x0], $0xffff;
	_ =	sdelay $0x4  }
0xd2: {  	[tilespmem:s11+$0x19700] =	vst v0  }
0xd3: {  	[hbm4b:s28+s5] =	stream.strided.scatter [tilespmem:s8], [sflag:$0x1], $0x1000, s6, s5, $0x38;
	[tilespmem:$0x1A700] =	vst v63  }
0xd4: {  	_ =	swait.ge [sflag:s4], $0x1000  }
0xd5: {  	[sflag:s4] =	ssyncset.done $0x0  }
0xd6: {  	[sflag:s4] =	ssyncadd.s32 $0xFFFFF000  }
0xd7: {  	[tilespmem:s7], [sflag:$0x1] =	stream.strided.gather [hbm4b:s14+s5], $0x18700, s6, s5, $0x38;
	[tilespmem:$0x1A700] =	vst v63  }
0xd8: {  	_ =	swait.ge [sflag:s4], $0x18700  }
0xd9: {  	[sflag:s4] =	ssyncset.done $0x0  }
0xda: {  	s10 =	simm.s32 $0x0;
	[sflag:s4] =	ssyncadd.s32 $0xFFFE7900  }
0xdb: {  	v0 =	vld [tilespmem:s10+$0x0];
	_ =	sdelay $0x7  }
0xdc: {  	s12 =	simm.s32 $0x80;
	s11 =	simm.s32 $0x10;
	v0 =	vld.idx.msk [tilespmem:v0+s7+$0x0], $0xffff  }
.LBB2_22:
0xdd: {  	p0 =	sne.s32 s12, $0x3FC0;
	v1 =	vld [tilespmem:s11+$0x0];
	_ =	sdelay $0x3  }
.Ltmp10:
0xde: {  	(pc) =	sbr.rel @p0 .LBB2_22-.Ltmp10, $2  }
0xdf: {  	[tilespmem:s10+$0x19700] =	vst v0;
	s10 =	smov.u32 s11;
	_ =	sdelay $0x2  }
0xe0: {  	s11 =	sshra.s32 s12, $0x2;
	s12 =	sadd.s32 $0x40, s12;
	v0 =	vld.idx.msk [tilespmem:v1+s7+$0x0], $0xffff  }
0xe1: {  	v1 =	vld [tilespmem:s11+$0x0];
	_ =	sdelay $0x6  }
0xe2: {  	[tilespmem:s10+$0x19700] =	vst v0  }
0xe3: {  	v0 =	vld.idx.msk [tilespmem:v1+s7+$0x0], $0xffff;
	_ =	sdelay $0x4  }
0xe4: {  	[tilespmem:s11+$0x19700] =	vst v0  }
0xe5: {  	[hbm4b:s30+s5] =	stream.strided.scatter [tilespmem:s8], [sflag:$0x1], $0x1000, s6, s5, $0x38;
	[tilespmem:$0x1A700] =	vst v63  }
0xe6: {  	_ =	swait.ge [sflag:s4], $0x1000  }
0xe7: {  	[sflag:s4] =	ssyncset.done $0x0  }
0xe8: {  	[sflag:s4] =	ssyncadd.s32 $0xFFFFF000  }
0xe9: {  	[tilespmem:s7], [sflag:$0x1] =	stream.strided.gather [hbm4b:s15+s5], $0x18700, s6, s5, $0x38;
	[tilespmem:$0x1A700] =	vst v63  }
0xea: {  	_ =	swait.ge [sflag:s4], $0x18700  }
0xeb: {  	[sflag:s4] =	ssyncset.done $0x0  }
0xec: {  	s10 =	simm.s32 $0x0;
	[sflag:s4] =	ssyncadd.s32 $0xFFFE7900  }
0xed: {  	v0 =	vld [tilespmem:s10+$0x0];
	_ =	sdelay $0x7  }
0xee: {  	s12 =	simm.s32 $0x80;
	s11 =	simm.s32 $0x10;
	v0 =	vld.idx.msk [tilespmem:v0+s7+$0x0], $0xffff  }
.LBB2_24:
0xef: {  	p0 =	sne.s32 s12, $0x3FC0;
	v1 =	vld [tilespmem:s11+$0x0];
	_ =	sdelay $0x3  }
.Ltmp11:
0xf0: {  	(pc) =	sbr.rel @p0 .LBB2_24-.Ltmp11, $2  }
0xf1: {  	[tilespmem:s10+$0x19700] =	vst v0;
	s10 =	smov.u32 s11;
	_ =	sdelay $0x2  }
0xf2: {  	s11 =	sshra.s32 s12, $0x2;
	s12 =	sadd.s32 $0x40, s12;
	v0 =	vld.idx.msk [tilespmem:v1+s7+$0x0], $0xffff  }
0xf3: {  	v1 =	vld [tilespmem:s11+$0x0];
	_ =	sdelay $0x6  }
0xf4: {  	[tilespmem:s10+$0x19700] =	vst v0  }
0xf5: {  	v0 =	vld.idx.msk [tilespmem:v1+s7+$0x0], $0xffff;
	_ =	sdelay $0x4  }
0xf6: {  	[tilespmem:s11+$0x19700] =	vst v0  }
0xf7: {  	[hbm4b:s31+s5] =	stream.strided.scatter [tilespmem:s8], [sflag:$0x1], $0x1000, s6, s5, $0x38;
	[tilespmem:$0x1A700] =	vst v63  }
0xf8: {  	_ =	swait.ge [sflag:s4], $0x1000  }
0xf9: {  	[sflag:s4] =	ssyncset.done $0x0  }
0xfa: {  	[sflag:s4] =	ssyncadd.s32 $0xFFFFF000  }
0xfb: {  	[tilespmem:s7], [sflag:$0x1] =	stream.strided.gather [hbm4b:s16+s5], $0x18700, s6, s5, $0x38;
	[tilespmem:$0x1A700] =	vst v63  }
0xfc: {  	_ =	swait.ge [sflag:s4], $0x18700  }
0xfd: {  	[sflag:s4] =	ssyncset.done $0x0  }
0xfe: {  	s10 =	simm.s32 $0x0;
	[sflag:s4] =	ssyncadd.s32 $0xFFFE7900  }
0xff: {  	v0 =	vld [tilespmem:s10+$0x0];
	_ =	sdelay $0x7  }
0x100: {  	s12 =	simm.s32 $0x80;
	s11 =	simm.s32 $0x10;
	v0 =	vld.idx.msk [tilespmem:v0+s7+$0x0], $0xffff  }
.LBB2_26:
0x101: {  	p0 =	sne.s32 s12, $0x3FC0;
	v1 =	vld [tilespmem:s11+$0x0];
	_ =	sdelay $0x3  }
.Ltmp12:
0x102: {  	(pc) =	sbr.rel @p0 .LBB2_26-.Ltmp12, $2  }
0x103: {  	[tilespmem:s10+$0x19700] =	vst v0;
	s10 =	smov.u32 s11;
	_ =	sdelay $0x2  }
0x104: {  	s11 =	sshra.s32 s12, $0x2;
	s12 =	sadd.s32 $0x40, s12;
	v0 =	vld.idx.msk [tilespmem:v1+s7+$0x0], $0xffff  }
0x105: {  	v1 =	vld [tilespmem:s11+$0x0];
	_ =	sdelay $0x6  }
0x106: {  	[tilespmem:s10+$0x19700] =	vst v0  }
0x107: {  	v0 =	vld.idx.msk [tilespmem:v1+s7+$0x0], $0xffff;
	_ =	sdelay $0x4  }
0x108: {  	[tilespmem:s11+$0x19700] =	vst v0  }
0x109: {  	[hbm4b:s29+s5] =	stream.strided.scatter [tilespmem:s8], [sflag:$0x1], $0x1000, s6, s5, $0x38;
	[tilespmem:$0x1A700] =	vst v63  }
0x10a: {  	_ =	swait.ge [sflag:s4], $0x1000  }
0x10b: {  	[sflag:s4] =	ssyncset.done $0x0  }
0x10c: {  	[sflag:s4] =	ssyncadd.s32 $0xFFFFF000  }
0x10d: {  	[tilespmem:s7], [sflag:$0x1] =	stream.strided.gather [hbm4b:s17+s5], $0x18700, s6, s5, $0x38;
	[tilespmem:$0x1A700] =	vst v63  }
0x10e: {  	_ =	swait.ge [sflag:s4], $0x18700  }
0x10f: {  	[sflag:s4] =	ssyncset.done $0x0  }
0x110: {  	s10 =	simm.s32 $0x0;
	[sflag:s4] =	ssyncadd.s32 $0xFFFE7900  }
0x111: {  	v0 =	vld [tilespmem:s10+$0x0];
	_ =	sdelay $0x7  }
0x112: {  	s12 =	simm.s32 $0x80;
	s11 =	simm.s32 $0x10;
	v0 =	vld.idx.msk [tilespmem:v0+s7+$0x0], $0xffff  }
.LBB2_28:
0x113: {  	p0 =	sne.s32 s12, $0x3FC0;
	v1 =	vld [tilespmem:s11+$0x0];
	_ =	sdelay $0x3  }
.Ltmp13:
0x114: {  	(pc) =	sbr.rel @p0 .LBB2_28-.Ltmp13, $2  }
0x115: {  	[tilespmem:s10+$0x19700] =	vst v0;
	s10 =	smov.u32 s11;
	_ =	sdelay $0x2  }
0x116: {  	s11 =	sshra.s32 s12, $0x2;
	s12 =	sadd.s32 $0x40, s12;
	v0 =	vld.idx.msk [tilespmem:v1+s7+$0x0], $0xffff  }
0x117: {  	v1 =	vld [tilespmem:s11+$0x0];
	_ =	sdelay $0x6  }
0x118: {  	[tilespmem:s10+$0x19700] =	vst v0  }
0x119: {  	v0 =	vld.idx.msk [tilespmem:v1+s7+$0x0], $0xffff;
	_ =	sdelay $0x4  }
0x11a: {  	[tilespmem:s11+$0x19700] =	vst v0  }
0x11b: {  	[hbm4b:s1+s5] =	stream.strided.scatter [tilespmem:s8], [sflag:$0x1], $0x1000, s6, s5, $0x38;
	[tilespmem:$0x1A700] =	vst v63  }
0x11c: {  	_ =	swait.ge [sflag:s4], $0x1000  }
0x11d: {  	[sflag:s4] =	ssyncset.done $0x0  }
0x11e: {  	[sflag:s4] =	ssyncadd.s32 $0xFFFFF000  }
0x11f: {  	[tilespmem:s7], [sflag:$0x1] =	stream.strided.gather [hbm4b:s18+s5], $0x18700, s6, s5, $0x38;
	[tilespmem:$0x1A700] =	vst v63  }
0x120: {  	_ =	swait.ge [sflag:s4], $0x18700  }
0x121: {  	[sflag:s4] =	ssyncset.done $0x0  }
0x122: {  	s10 =	simm.s32 $0x0;
	[sflag:s4] =	ssyncadd.s32 $0xFFFE7900  }
0x123: {  	v0 =	vld [tilespmem:s10+$0x0];
	_ =	sdelay $0x7  }
0x124: {  	s12 =	simm.s32 $0x80;
	s11 =	simm.s32 $0x10;
	v0 =	vld.idx.msk [tilespmem:v0+s7+$0x0], $0xffff  }
.LBB2_30:
0x125: {  	p0 =	sne.s32 s12, $0x3FC0;
	v1 =	vld [tilespmem:s11+$0x0];
	_ =	sdelay $0x3  }
.Ltmp14:
0x126: {  	(pc) =	sbr.rel @p0 .LBB2_30-.Ltmp14, $2  }
0x127: {  	[tilespmem:s10+$0x19700] =	vst v0;
	s10 =	smov.u32 s11;
	_ =	sdelay $0x2  }
0x128: {  	s11 =	sshra.s32 s12, $0x2;
	s12 =	sadd.s32 $0x40, s12;
	v0 =	vld.idx.msk [tilespmem:v1+s7+$0x0], $0xffff  }
0x129: {  	v1 =	vld [tilespmem:s11+$0x0];
	_ =	sdelay $0x6  }
0x12a: {  	[tilespmem:s10+$0x19700] =	vst v0  }
0x12b: {  	v0 =	vld.idx.msk [tilespmem:v1+s7+$0x0], $0xffff;
	_ =	sdelay $0x4  }
0x12c: {  	[tilespmem:s11+$0x19700] =	vst v0  }
0x12d: {  	[hbm4b:s0+s5] =	stream.strided.scatter [tilespmem:s8], [sflag:$0x1], $0x1000, s6, s5, $0x38;
	[tilespmem:$0x1A700] =	vst v63  }
0x12e: {  	_ =	swait.ge [sflag:s4], $0x1000  }
0x12f: {  	[sflag:s4] =	ssyncset.done $0x0  }
0x130: {  	[sflag:s4] =	ssyncadd.s32 $0xFFFFF000  }
0x131: {  	[tilespmem:s7], [sflag:$0x1] =	stream.strided.gather [hbm4b:s19+s5], $0x18700, s6, s5, $0x38;
	[tilespmem:$0x1A700] =	vst v63  }
0x132: {  	_ =	swait.ge [sflag:s4], $0x18700  }
0x133: {  	[sflag:s4] =	ssyncset.done $0x0  }
0x134: {  	s10 =	simm.s32 $0x0;
	[sflag:s4] =	ssyncadd.s32 $0xFFFE7900  }
0x135: {  	v0 =	vld [tilespmem:s10+$0x0];
	_ =	sdelay $0x7  }
0x136: {  	s12 =	simm.s32 $0x80;
	s11 =	simm.s32 $0x10;
	v0 =	vld.idx.msk [tilespmem:v0+s7+$0x0], $0xffff  }
.LBB2_32:
0x137: {  	p0 =	sne.s32 s12, $0x3FC0;
	v1 =	vld [tilespmem:s11+$0x0];
	_ =	sdelay $0x3  }
.Ltmp15:
0x138: {  	(pc) =	sbr.rel @p0 .LBB2_32-.Ltmp15, $2  }
0x139: {  	[tilespmem:s10+$0x19700] =	vst v0;
	s10 =	smov.u32 s11;
	_ =	sdelay $0x2  }
0x13a: {  	s11 =	sshra.s32 s12, $0x2;
	s12 =	sadd.s32 $0x40, s12;
	v0 =	vld.idx.msk [tilespmem:v1+s7+$0x0], $0xffff  }
0x13b: {  	v1 =	vld [tilespmem:s11+$0x0];
	_ =	sdelay $0x6  }
0x13c: {  	[tilespmem:s10+$0x19700] =	vst v0  }
0x13d: {  	v0 =	vld.idx.msk [tilespmem:v1+s7+$0x0], $0xffff;
	_ =	sdelay $0x2  }
0x13e: {  	s9 =	sadd.s32 $0x1, s9  }
0x13f: {  	p0 =	sne.s32 s9, s3  }
.Ltmp16:
0x140: {  	[tilespmem:s11+$0x19700] =	vst v0;
	(pc) =	sbr.rel @p0 .LBB2_1-.Ltmp16, $4  }
0x141: {  	[hbm4b:s2+s5] =	stream.strided.scatter [tilespmem:s8], [sflag:$0x1], $0x1000, s6, s5, $0x38;
	[tilespmem:$0x1A700] =	vst v63  }
0x142: {  	_ =	swait.ge [sflag:s4], $0x1000  }
0x143: {  	[sflag:s4] =	ssyncset.done $0x0  }
0x144: {  	[sflag:s4] =	ssyncadd.s32 $0xFFFFF000  }
0x145: {  	_ =	sfence.sel $0x180000  }
0x146: {  	[bflag:$0x0] =	sbarrier.arrive $0xFFFF  }
0x147: {  	_ =	strace $0x90000047  }
0x148: {  	s0 =	stileid.u32;
	[bflag:$0x2] =	sbarrier.arrive $0xFFFF  }
0x149: {  	p0 =	sne.s32 s0, $0x0;
	s0 =	rddreg [dreg:$0x3]  }
0x14a: {  	s0 =	sadd.s32 @!p0 $0x100000, s0  }
0x14b: {  	[sflag:s0] =	ssyncadd.tile.s32 @!p0 $0x1;
	_ =	shalt  }
.Lfunc_end2:
_tile_overlayer_lowered:
.L_overlay_start_2:
0x14c: {  	(tag) =	ssettag $0x2  }
0x14d: {  	s0 =	rddreg [dreg:$0x0];
	s2 =	stileid.u32  }
0x14e: {  	s1 =	rddreg [dreg:$0x1];
	p0 =	sne.s32 s2, $0x0  }
0x14f: {  	s3 =	rddreg [dreg:$0x2];
	[bflag:$0x3] =	sbarrier.arrive $0xFFFF;
	s2 =	simm.s32 @!p0 $0x1C01  }
0x150: {  	[timem:s3], [sflag:s2] =	dma.local @!p0 [hbm:s0], s1  }
0x151: {  	s0 =	simm.s32 @!p0 $0x1  }
0x152: {  	_ =	swait.ge @!p0 [sflag:s0], s1  }
0x153: {  	s1 =	ssub.s32 @!p0 $0x0, s1;
	[sflag:s0] =	ssyncset.done @!p0 $0x0  }
0x154: {  	[sflag:s0] =	ssyncadd.s32 @!p0 s1  }
0x155: {  	[bflag:$0x3] =	sbarrier.arrive $0xFFFF  }
0x156: {  	_ =	shalt  }

</sc_bundles>
